<compile_context>
chip_gen: v7x
topology: tpu7x:2x2x1
jax: 0.10.2.dev20260603
libtpu: 0.0.44.dev20260713+nightly
codegen_flags: <defaults>
</compile_context>

<pallas_src>
import jax
import jax.numpy as jnp
from jax import lax
from jax.experimental import pallas as pl
from jax.experimental.pallas import tpu as pltpu
from jax.experimental.pallas import tpu_sc as plsc

_N = 10000
_E = 320000
_D = 128
_H = 4
_OD = 32
_HO = _H * _OD

_NC = 2
_NS = 16
_NW = _NC * _NS
_EPW = _E // _NW
_K = 80
_NCH = _EPW // _K
_G = _K // 16
_NP = 10240
_RPT = _NP // _NS
_ZR = 64
_EPS = _E // _NS
_NCH2 = _EPS // _K
_NPAIR = _NCH2 // 2
_DH = _D // 2


def _tc1_body(x_ref, w_ref, alr_ref, feat_ref, elr_ref):
    feat = jnp.dot(x_ref[...], w_ref[...], preferred_element_type=jnp.float32)
    feat_ref[...] = feat
    elr_ref[...] = jnp.dot(feat, alr_ref[...], preferred_element_type=jnp.float32)


def _sc1_body(src_hbm, dst_hbm, elr_hbm, ex_hbm, d0_hbm, d1_hbm,
              elr_v, src_v, dst_v, ex4_v, ex16_v, zb_v, den_sh):
    c = lax.axis_index("c")
    s = lax.axis_index("s")
    wid = s * _NC + c

    def _zrow(i, _):
        zb_v[i, :] = jnp.zeros((16,), jnp.float32)
        return 0
    lax.fori_loop(0, _RPT, _zrow, 0)
    pltpu.sync_copy(zb_v, den_sh.at[pl.ds(s * _RPT, _RPT)])

    def _zex(i, _):
        ex16_v[i, :] = jnp.zeros((16,), jnp.float32)
        return 0
    lax.fori_loop(0, _K, _zex, 0)

    pltpu.sync_copy(elr_hbm, elr_v)
    plsc.subcore_barrier()

    def _chunk(cc, _):
        base = wid * _EPW + cc * _K
        pltpu.sync_copy(src_hbm.at[pl.ds(base, _K)], src_v)
        pltpu.sync_copy(dst_hbm.at[pl.ds(base, _K)], dst_v)

        def _group(i, _):
            j16 = i * 16 + lax.iota(jnp.int32, 16)
            s16 = src_v[pl.ds(i * 16, 16)]
            d16 = dst_v[pl.ds(i * 16, 16)]
            for h in range(_H):
                el = plsc.load_gather(elr_v, [s16 + h * _N])
                er = plsc.load_gather(elr_v, [d16 + (4 + h) * _N])
                z = el + er
                z = jnp.maximum(z, 0.2 * z)
                exz = jnp.exp(z)
                hh = jnp.full((16,), h, jnp.int32)
                plsc.store_scatter(ex4_v, [j16, hh], exz)
                plsc.store_scatter(ex16_v, [j16, hh], exz)
            return 0
        lax.fori_loop(0, _G, _group, 0)

        pltpu.sync_copy(ex4_v, ex_hbm.at[pl.ds(base, _K)])
        pltpu.sync_copy(ex16_v, den_sh.at[dst_v], add=True)
        return 0
    lax.fori_loop(0, _NCH, _chunk, 0)

    plsc.subcore_barrier()

    @pl.when(c == 0)
    def _():
        pltpu.sync_copy(den_sh.at[pl.ds(s * _RPT, _RPT)],
                        d0_hbm.at[pl.ds(s * _RPT, _RPT)])

    @pl.when(c == 1)
    def _():
        pltpu.sync_copy(den_sh.at[pl.ds(s * _RPT, _RPT)],
                        d1_hbm.at[pl.ds(s * _RPT, _RPT)])


def _sc2_body(src_hbm, dst_hbm, ex_hbm, feat2_hbm, r0_hbm, r1_hbm,
              src0_v, src1_v, dst0_v, dst1_v, fidx0_v, fidx1_v,
              exa_v, exb_v, rows0_v, rows1_v, al_v, zb_v,
              acc_sh, sem_s, sem_b):
    c = lax.axis_index("c")
    s = lax.axis_index("s")

    src_sl = (src0_v, src1_v)
    dst_sl = (dst0_v, dst1_v)
    fidx_sl = (fidx0_v, fidx1_v)
    ex_sl = (exa_v, exb_v)
    rows_sl = (rows0_v, rows1_v)

    def _zrow(i, _):
        for q in range(4):
            zb_v[i, pl.ds(q * 16, 16)] = jnp.zeros((16,), jnp.float32)
        return 0
    lax.fori_loop(0, _ZR, _zrow, 0)
    for q in range(_RPT // _ZR):
        pltpu.sync_copy(zb_v, acc_sh.at[pl.ds(s * _RPT + q * _ZR, _ZR)])
    plsc.subcore_barrier()

    def _base(cc):
        return s * _EPS + cc * _K

    def _issue_small(cc, b):
        pltpu.async_copy(src_hbm.at[pl.ds(_base(cc), _K)], src_sl[b], sem_s)
        pltpu.async_copy(dst_hbm.at[pl.ds(_base(cc), _K)], dst_sl[b], sem_s)
        pltpu.async_copy(ex_hbm.at[pl.ds(_base(cc), _K)], ex_sl[b], sem_s)

    def _wait_small(cc, b):
        pltpu.make_async_copy(src_hbm.at[pl.ds(_base(cc), _K)], src_sl[b],
                              sem_s).wait()
        pltpu.make_async_copy(dst_hbm.at[pl.ds(_base(cc), _K)], dst_sl[b],
                              sem_s).wait()
        pltpu.make_async_copy(ex_hbm.at[pl.ds(_base(cc), _K)], ex_sl[b],
                              sem_s).wait()

    def _fidx(b):
        def _f(i, _):
            j16 = i * 16 + lax.iota(jnp.int32, 16)
            s16 = src_sl[b][pl.ds(i * 16, 16)]
            plsc.store_scatter(fidx_sl[b], [j16], s16 * 2 + c)
            return 0
        lax.fori_loop(0, _G, _f, 0)

    def _issue_big(b):
        pltpu.async_copy(feat2_hbm.at[fidx_sl[b]], rows_sl[b], sem_b)

    def _wait_big(b):
        pltpu.make_async_copy(feat2_hbm.at[fidx_sl[b]], rows_sl[b],
                              sem_b).wait()

    def _scale_scatter(b):
        def _gather_ex(i, _):
            j16 = i * 16 + lax.iota(jnp.int32, 16)
            for hh in range(2):
                hvec = jnp.zeros((16,), jnp.int32) + (2 * c + hh)
                exv = plsc.load_gather(ex_sl[b], [j16, hvec])
                plsc.store_scatter(al_v, [j16 * 2 + hh], exv)
            return 0
        lax.fori_loop(0, _G, _gather_ex, 0)

        def _edge(j, _):
            for hh in range(2):
                idx = jnp.zeros((16,), jnp.int32) + (j * 2 + hh)
                asp = plsc.load_gather(al_v, [idx])
                for q in range(2):
                    c0 = 32 * hh + 16 * q
                    rows_sl[b][j, pl.ds(c0, 16)] = (
                        rows_sl[b][j, pl.ds(c0, 16)] * asp)
            return 0
        lax.fori_loop(0, _K, _edge, 0)

        pltpu.sync_copy(rows_sl[b], acc_sh.at[dst_sl[b]], add=True)

    pltpu.sync_copy(src_hbm.at[pl.ds(_base(0), _K)], src0_v)
    pltpu.sync_copy(dst_hbm.at[pl.ds(_base(0), _K)], dst0_v)
    pltpu.sync_copy(ex_hbm.at[pl.ds(_base(0), _K)], exa_v)
    _fidx(0)
    _issue_big(0)
    _issue_small(1, 1)

    def _pair(t, _):
        c0 = 2 * t
        _wait_small(c0 + 1, 1)
        _fidx(1)
        _issue_big(1)
        _wait_big(0)
        _scale_scatter(0)

        @pl.when(t < _NPAIR - 1)
        def _():
            _issue_small(c0 + 2, 0)
            _wait_small(c0 + 2, 0)
            _fidx(0)
            _issue_big(0)

        _wait_big(1)
        _scale_scatter(1)

        @pl.when(t < _NPAIR - 1)
        def _():
            _issue_small(c0 + 3, 1)
        return 0
    lax.fori_loop(0, _NPAIR, _pair, 0)

    plsc.subcore_barrier()

    @pl.when(c == 0)
    def _():
        pltpu.sync_copy(acc_sh.at[pl.ds(s * _RPT, _RPT)],
                        r0_hbm.at[pl.ds(s * _RPT, _RPT)])

    @pl.when(c == 1)
    def _():
        pltpu.sync_copy(acc_sh.at[pl.ds(s * _RPT, _RPT)],
                        r1_hbm.at[pl.ds(s * _RPT, _RPT)])


def _tc2_body(r0_ref, r1_ref, d0_ref, d1_ref, b_ref, g_ref, be_ref, out_ref):
    den = d0_ref[...][:_N, :_H] + d1_ref[...][:_N, :_H]
    inv = 1.0 / jnp.where(den == 0.0, 1.0, den)
    halves = (r0_ref, r1_ref)
    for h in range(_H):
        cols = (h % 2) * _OD
        out_ref[:, h * _OD:(h + 1) * _OD] = (
            halves[h // 2][:_N, cols:cols + _OD] * inv[:, h:h + 1]
            + b_ref[:, h * _OD:(h + 1) * _OD])
    t = out_ref[...]
    mean = jnp.mean(t, axis=0, keepdims=True)
    d = t - mean
    var = jnp.mean(d * d, axis=0, keepdims=True)
    y = d * lax.rsqrt(var + 1e-5) * g_ref[...] + be_ref[...]
    out_ref[...] = jnp.maximum(y, 0.0)


_mesh = plsc.VectorSubcoreMesh(core_axis_name="c", subcore_axis_name="s")

_sc1 = pl.kernel(
    _sc1_body,
    out_type=(
        jax.ShapeDtypeStruct((_E, 4), jnp.float32),
        jax.ShapeDtypeStruct((_NP, 16), jnp.float32),
        jax.ShapeDtypeStruct((_NP, 16), jnp.float32),
    ),
    mesh=_mesh,
    scratch_types=[
        pltpu.VMEM((_N * 8,), jnp.float32),
        pltpu.VMEM((_K,), jnp.int32),
        pltpu.VMEM((_K,), jnp.int32),
        pltpu.VMEM((_K, 4), jnp.float32),
        pltpu.VMEM((_K, 16), jnp.float32),
        pltpu.VMEM((_RPT, 16), jnp.float32),
        pltpu.VMEM_SHARED((_NP, 16), jnp.float32),
    ],
    compiler_params=pltpu.CompilerParams(needs_layout_passes=False, use_tc_tiling_on_sc=False),
)

_sc2 = pl.kernel(
    _sc2_body,
    out_type=(
        jax.ShapeDtypeStruct((_NP, _DH), jnp.float32),
        jax.ShapeDtypeStruct((_NP, _DH), jnp.float32),
    ),
    mesh=_mesh,
    scratch_types=[
        pltpu.VMEM((_K,), jnp.int32),
        pltpu.VMEM((_K,), jnp.int32),
        pltpu.VMEM((_K,), jnp.int32),
        pltpu.VMEM((_K,), jnp.int32),
        pltpu.VMEM((_K,), jnp.int32),
        pltpu.VMEM((_K,), jnp.int32),
        pltpu.VMEM((_K, 4), jnp.float32),
        pltpu.VMEM((_K, 4), jnp.float32),
        pltpu.VMEM((_K, _DH), jnp.float32),
        pltpu.VMEM((_K, _DH), jnp.float32),
        pltpu.VMEM((_K * 2,), jnp.float32),
        pltpu.VMEM((_ZR, _DH), jnp.float32),
        pltpu.VMEM_SHARED((_NP, _DH), jnp.float32),
        pltpu.SemaphoreType.DMA,
        pltpu.SemaphoreType.DMA,
    ],
    compiler_params=pltpu.CompilerParams(needs_layout_passes=False, use_tc_tiling_on_sc=False),
)


def kernel(x, edge_index, W, attn_l, attn_r, bias, bn_gamma, bn_beta):
    src = edge_index[0]
    dst = edge_index[1]

    rows_head = jnp.arange(_D, dtype=jnp.int32) // _OD
    head_onehot = (rows_head[:, None] ==
                   jnp.arange(_H, dtype=jnp.int32)[None, :]).astype(jnp.float32)
    alr = jnp.concatenate(
        [head_onehot * attn_l.reshape(-1)[:, None],
         head_onehot * attn_r.reshape(-1)[:, None]], axis=1)

    feat, elr = pl.pallas_call(
        _tc1_body,
        out_shape=(
            jax.ShapeDtypeStruct((_N, _D), jnp.float32),
            jax.ShapeDtypeStruct((_N, 8), jnp.float32),
        ),
    )(x, W, alr)

    ex, d0, d1 = _sc1(src, dst, elr.T.reshape(-1))
    r0, r1 = _sc2(src, dst, ex, feat.reshape(2 * _N, _DH))

    out = pl.pallas_call(
        _tc2_body,
        out_shape=jax.ShapeDtypeStruct((_N, _HO), jnp.float32),
    )(r0, r1, d0, d1, bias.reshape(1, _HO), bn_gamma.reshape(1, _HO),
      bn_beta.reshape(1, _HO))
    return out

# --- scband reference (transcript-rebuilt; emitter-appended) ---
"""Pipeline reference for scband-graph-attn-24154896073110 (READ-ONLY COPY).

The authoritative reference and input builder live on the scoring server;
editing this copy changes nothing except your own understanding.
"""

import jax, jax.numpy as jnp
import numpy as np

N = 10000
E = 320000
IN_DIM = 128
OUT_DIM = 32
H = 4


def setup_inputs(seed: int = 0) -> dict:
    key = jax.random.key(seed)
    ks = jax.random.split(key, 8)
    x = jax.random.normal(ks[0], (N, IN_DIM), dtype=jnp.float32)
    edge_index = jax.random.randint(ks[1], (2, E), 0, N, dtype=jnp.int32)
    # GATConv fc weight: [in_dim, num_heads*out_dim] (xavier-ish scale)
    W = jax.random.normal(ks[2], (IN_DIM, H * OUT_DIM), dtype=jnp.float32) * (1.0 / np.sqrt(IN_DIM))
    attn_l = jax.random.normal(ks[3], (H, OUT_DIM), dtype=jnp.float32) * 0.1
    attn_r = jax.random.normal(ks[4], (H, OUT_DIM), dtype=jnp.float32) * 0.1
    bias = jnp.zeros((H * OUT_DIM,), dtype=jnp.float32)
    bn_gamma = jnp.ones((H * OUT_DIM,), dtype=jnp.float32)
    bn_beta = jnp.zeros((H * OUT_DIM,), dtype=jnp.float32)
    return {"x": x, "edge_index": edge_index, "W": W, "attn_l": attn_l,
            "attn_r": attn_r, "bias": bias, "bn_gamma": bn_gamma, "bn_beta": bn_beta}


def reference(x, edge_index, W, attn_l, attn_r, bias, bn_gamma, bn_beta):
    src = edge_index[0]
    dst = edge_index[1]
    # linear projection and reshape to [N, H, OUT]
    feat = (x @ W).reshape(N, H, OUT_DIM)
    # attention logits per node
    el = jnp.sum(feat * attn_l[None, :, :], axis=-1)  # [N, H]
    er = jnp.sum(feat * attn_r[None, :, :], axis=-1)  # [N, H]
    # per-edge attention score with leaky relu (slope 0.2, DGL default)
    e = jax.nn.leaky_relu(el[src] + er[dst], negative_slope=0.2)  # [E, H]
    # edge softmax over destination nodes
    m = jax.ops.segment_max(e, dst, num_segments=N)
    m = jnp.where(jnp.isfinite(m), m, 0.0)
    ex = jnp.exp(e - m[dst])
    denom = jax.ops.segment_sum(ex, dst, num_segments=N)
    denom_e = denom[dst]
    alpha = ex / jnp.where(denom_e == 0.0, 1.0, denom_e)  # [E, H]
    # weighted message aggregation (scatter-add over dst)
    msg = feat[src] * alpha[:, :, None]  # [E, H, OUT]
    rst = jax.ops.segment_sum(msg, dst, num_segments=N)  # [N, H, OUT]
    rst = rst + bias.reshape(1, H, OUT_DIM)
    # Flatten(1, 2)
    out = rst.reshape(N, H * OUT_DIM)
    # BatchNorm1d (training-mode batch statistics, biased var, eps=1e-5)
    mean = jnp.mean(out, axis=0)
    var = jnp.var(out, axis=0)
    out = (out - mean) / jnp.sqrt(var + 1e-5) * bn_gamma + bn_beta
    # ReLU
    return jax.nn.relu(out)

if __name__ == "__main__":
    import jax
    _d = setup_inputs()
    print(jax.jit(kernel)(*tuple(_d.values())))

</pallas_src>

<mosaic_0001>
#map = affine_map<(d0, d1) -> (0)>
#map1 = affine_map<(d0, d1) -> (0, 0)>
module attributes {stable_mosaic.version = 14 : i64} {
  func.func @_sc2_body(%arg0: i32, %arg1: i32, %arg2: memref<320000xi32, #tpu.memory_space<hbm>>, %arg3: memref<320000xi32, #tpu.memory_space<hbm>>, %arg4: memref<320000x4xf32, #tpu.memory_space<hbm>>, %arg5: memref<20000x64xf32, #tpu.memory_space<hbm>>, %arg6: memref<10240x64xf32, #tpu.memory_space<hbm>>, %arg7: memref<10240x64xf32, #tpu.memory_space<hbm>>, %arg8: memref<80xi32, #tpu.memory_space<vmem>>, %arg9: memref<80xi32, #tpu.memory_space<vmem>>, %arg10: memref<80xi32, #tpu.memory_space<vmem>>, %arg11: memref<80xi32, #tpu.memory_space<vmem>>, %arg12: memref<80xi32, #tpu.memory_space<vmem>>, %arg13: memref<80xi32, #tpu.memory_space<vmem>>, %arg14: memref<80x4xf32, #tpu.memory_space<vmem>>, %arg15: memref<80x4xf32, #tpu.memory_space<vmem>>, %arg16: memref<80x64xf32, #tpu.memory_space<vmem>>, %arg17: memref<80x64xf32, #tpu.memory_space<vmem>>, %arg18: memref<160xf32, #tpu.memory_space<vmem>>, %arg19: memref<64x64xf32, #tpu.memory_space<vmem>>, %arg20: memref<10240x64xf32, #tpu.memory_space<vmem_shared>>, %arg21: memref<!tpu.dma_semaphore, #tpu.memory_space<semaphore_mem>>, %arg22: memref<!tpu.dma_semaphore, #tpu.memory_space<semaphore_mem>>) attributes {dimension_semantics = [#tpu.dimension_semantics<core_parallel>, #tpu.dimension_semantics<subcore_parallel>], iteration_bounds = array<i64: 2, 16>, scalar_prefetch = 0 : i64, scratch_operands = 15 : i64, tpu.core_type = #tpu.core_type<sc_vector_subcore>, window_params = [{transform_indices = #map}, {transform_indices = #map}, {transform_indices = #map1}, {transform_indices = #map1}, {transform_indices = #map1}, {transform_indices = #map1}]} {
    %scan3A = arith.constant 0 : i32
    %scan3A_0 = arith.constant 0 : i32
    %scan3A_1 = arith.constant 64 : i32
    %scan3A_2 = arith.addi %scan3A_0, %scan3A_1 : i32
    %scan3A_3 = arith.constant 1 : i32
    %scan3A_4 = scf.for %scan3A_100 = %scan3A_0 to %scan3A_2 step %scan3A_3 iter_args(%scan3A_101 = %scan3A) -> (i32)  : i32 {
      %broadcast_in_dim3A = arith.constant 0.000000e+00 : f32
      %broadcast_in_dim3A_102 = vector.broadcast %broadcast_in_dim3A : f32 to vector<16xf32>
      %swap3A = arith.index_cast %scan3A_100 : i32 to index
      %swap3A_103 = arith.constant 0 : index
      %swap3A_104 = tpu.vector_load %arg19[%swap3A, %swap3A_103] {strides = array<i32>} : memref<64x64xf32, #tpu.memory_space<vmem>>, vector<16xf32>,
      tpu.vector_store %arg19[%swap3A, %swap3A_103], %broadcast_in_dim3A_102 {strides = array<i32>} : memref<64x64xf32, #tpu.memory_space<vmem>>, vector<16xf32>,
      %broadcast_in_dim3A_105 = arith.constant 0.000000e+00 : f32
      %broadcast_in_dim3A_106 = vector.broadcast %broadcast_in_dim3A_105 : f32 to vector<16xf32>
      %swap3A_107 = arith.index_cast %scan3A_100 : i32 to index
      %swap3A_108 = arith.constant 16 : index
      %swap3A_109 = tpu.vector_load %arg19[%swap3A_107, %swap3A_108] {strides = array<i32>} : memref<64x64xf32, #tpu.memory_space<vmem>>, vector<16xf32>,
      tpu.vector_store %arg19[%swap3A_107, %swap3A_108], %broadcast_in_dim3A_106 {strides = array<i32>} : memref<64x64xf32, #tpu.memory_space<vmem>>, vector<16xf32>,
      %broadcast_in_dim3A_110 = arith.constant 0.000000e+00 : f32
      %broadcast_in_dim3A_111 = vector.broadcast %broadcast_in_dim3A_110 : f32 to vector<16xf32>
      %swap3A_112 = arith.index_cast %scan3A_100 : i32 to index
      %swap3A_113 = arith.constant 32 : index
      %swap3A_114 = tpu.vector_load %arg19[%swap3A_112, %swap3A_113] {strides = array<i32>} : memref<64x64xf32, #tpu.memory_space<vmem>>, vector<16xf32>,
      tpu.vector_store %arg19[%swap3A_112, %swap3A_113], %broadcast_in_dim3A_111 {strides = array<i32>} : memref<64x64xf32, #tpu.memory_space<vmem>>, vector<16xf32>,
      %broadcast_in_dim3A_115 = arith.constant 0.000000e+00 : f32
      %broadcast_in_dim3A_116 = vector.broadcast %broadcast_in_dim3A_115 : f32 to vector<16xf32>
      %swap3A_117 = arith.index_cast %scan3A_100 : i32 to index
      %swap3A_118 = arith.constant 48 : index
      %swap3A_119 = tpu.vector_load %arg19[%swap3A_117, %swap3A_118] {strides = array<i32>} : memref<64x64xf32, #tpu.memory_space<vmem>>, vector<16xf32>,
      tpu.vector_store %arg19[%swap3A_117, %swap3A_118], %broadcast_in_dim3A_116 {strides = array<i32>} : memref<64x64xf32, #tpu.memory_space<vmem>>, vector<16xf32>,
      %scan3A_120 = arith.constant 0 : i32
      scf.yield %scan3A_120 : i32
    }
    %scan3A_5 = arith.constant 64 : i32
    %mul3A = arith.constant 640 : i32
    %mul3A_6 = arith.muli %arg1, %mul3A : i32
    %add3A = arith.constant 0 : i32
    %add3A_7 = arith.addi %mul3A_6, %add3A : i32
    "tpu.region"() ({
      %run_scoped3A = tpu.sem_alloc : memref<!tpu.dma_semaphore, #tpu.memory_space<semaphore_mem>>
      %dma_start3A_100 = arith.constant 0 : i32
      %dma_start3A_101 = tpu.memref_slice %arg20[%add3A_7, %dma_start3A_100] : memref<10240x64xf32, #tpu.memory_space<vmem_shared>> -> memref<64x64xf32, #tpu.memory_space<vmem_shared>>
      %dma_start3A_102 = arith.constant 0 : i32
      %dma_start3A_103 = tpu.memref_slice %arg20[%add3A_7, %dma_start3A_102] : memref<10240x64xf32, #tpu.memory_space<vmem_shared>> -> memref<64x64xf32, #tpu.memory_space<vmem_shared>>
      tpu.enqueue_dma source(%arg19 : memref<64x64xf32, #tpu.memory_space<vmem>>) target(%dma_start3A_103 : memref<64x64xf32, #tpu.memory_space<vmem_shared>>) target_semaphore(%run_scoped3A : memref<!tpu.dma_semaphore, #tpu.memory_space<semaphore_mem>>)
      %dma_wait3A = arith.constant 0 : i32
      %dma_wait3A_104 = tpu.memref_slice %arg20[%add3A_7, %dma_wait3A] : memref<10240x64xf32, #tpu.memory_space<vmem_shared>> -> memref<64x64xf32, #tpu.memory_space<vmem_shared>>
      %dma_wait3A_105 = arith.constant 0 : i32
      %dma_wait3A_106 = tpu.memref_slice %arg20[%add3A_7, %dma_wait3A_105] : memref<10240x64xf32, #tpu.memory_space<vmem_shared>> -> memref<64x64xf32, #tpu.memory_space<vmem_shared>>
      tpu.wait_dma2 semaphore(%run_scoped3A : memref<!tpu.dma_semaphore, #tpu.memory_space<semaphore_mem>>) src(%arg19 : memref<64x64xf32, #tpu.memory_space<vmem>>) dst(%dma_wait3A_106 : memref<64x64xf32, #tpu.memory_space<vmem_shared>>)
      tpu.yield
    }) : () -> ()
    %mul3A_8 = arith.constant 640 : i32
    %mul3A_9 = arith.muli %arg1, %mul3A_8 : i32
    %add3A_10 = arith.constant 64 : i32
    %add3A_11 = arith.addi %mul3A_9, %add3A_10 : i32
    "tpu.region"() ({
      %run_scoped3A = tpu.sem_alloc : memref<!tpu.dma_semaphore, #tpu.memory_space<semaphore_mem>>
      %dma_start3A_100 = arith.constant 0 : i32
      %dma_start3A_101 = tpu.memref_slice %arg20[%add3A_11, %dma_start3A_100] : memref<10240x64xf32, #tpu.memory_space<vmem_shared>> -> memref<64x64xf32, #tpu.memory_space<vmem_shared>>
      %dma_start3A_102 = arith.constant 0 : i32
      %dma_start3A_103 = tpu.memref_slice %arg20[%add3A_11, %dma_start3A_102] : memref<10240x64xf32, #tpu.memory_space<vmem_shared>> -> memref<64x64xf32, #tpu.memory_space<vmem_shared>>
      tpu.enqueue_dma source(%arg19 : memref<64x64xf32, #tpu.memory_space<vmem>>) target(%dma_start3A_103 : memref<64x64xf32, #tpu.memory_space<vmem_shared>>) target_semaphore(%run_scoped3A : memref<!tpu.dma_semaphore, #tpu.memory_space<semaphore_mem>>)
      %dma_wait3A = arith.constant 0 : i32
      %dma_wait3A_104 = tpu.memref_slice %arg20[%add3A_11, %dma_wait3A] : memref<10240x64xf32, #tpu.memory_space<vmem_shared>> -> memref<64x64xf32, #tpu.memory_space<vmem_shared>>
      %dma_wait3A_105 = arith.constant 0 : i32
      %dma_wait3A_106 = tpu.memref_slice %arg20[%add3A_11, %dma_wait3A_105] : memref<10240x64xf32, #tpu.memory_space<vmem_shared>> -> memref<64x64xf32, #tpu.memory_space<vmem_shared>>
      tpu.wait_dma2 semaphore(%run_scoped3A : memref<!tpu.dma_semaphore, #tpu.memory_space<semaphore_mem>>) src(%arg19 : memref<64x64xf32, #tpu.memory_space<vmem>>) dst(%dma_wait3A_106 : memref<64x64xf32, #tpu.memory_space<vmem_shared>>)
      tpu.yield
    }) : () -> ()
    %mul3A_12 = arith.constant 640 : i32
    %mul3A_13 = arith.muli %arg1, %mul3A_12 : i32
    %add3A_14 = arith.constant 128 : i32
    %add3A_15 = arith.addi %mul3A_13, %add3A_14 : i32
    "tpu.region"() ({
      %run_scoped3A = tpu.sem_alloc : memref<!tpu.dma_semaphore, #tpu.memory_space<semaphore_mem>>
      %dma_start3A_100 = arith.constant 0 : i32
      %dma_start3A_101 = tpu.memref_slice %arg20[%add3A_15, %dma_start3A_100] : memref<10240x64xf32, #tpu.memory_space<vmem_shared>> -> memref<64x64xf32, #tpu.memory_space<vmem_shared>>
      %dma_start3A_102 = arith.constant 0 : i32
      %dma_start3A_103 = tpu.memref_slice %arg20[%add3A_15, %dma_start3A_102] : memref<10240x64xf32, #tpu.memory_space<vmem_shared>> -> memref<64x64xf32, #tpu.memory_space<vmem_shared>>
      tpu.enqueue_dma source(%arg19 : memref<64x64xf32, #tpu.memory_space<vmem>>) target(%dma_start3A_103 : memref<64x64xf32, #tpu.memory_space<vmem_shared>>) target_semaphore(%run_scoped3A : memref<!tpu.dma_semaphore, #tpu.memory_space<semaphore_mem>>)
      %dma_wait3A = arith.constant 0 : i32
      %dma_wait3A_104 = tpu.memref_slice %arg20[%add3A_15, %dma_wait3A] : memref<10240x64xf32, #tpu.memory_space<vmem_shared>> -> memref<64x64xf32, #tpu.memory_space<vmem_shared>>
      %dma_wait3A_105 = arith.constant 0 : i32
      %dma_wait3A_106 = tpu.memref_slice %arg20[%add3A_15, %dma_wait3A_105] : memref<10240x64xf32, #tpu.memory_space<vmem_shared>> -> memref<64x64xf32, #tpu.memory_space<vmem_shared>>
      tpu.wait_dma2 semaphore(%run_scoped3A : memref<!tpu.dma_semaphore, #tpu.memory_space<semaphore_mem>>) src(%arg19 : memref<64x64xf32, #tpu.memory_space<vmem>>) dst(%dma_wait3A_106 : memref<64x64xf32, #tpu.memory_space<vmem_shared>>)
      tpu.yield
    }) : () -> ()
    %mul3A_16 = arith.constant 640 : i32
    %mul3A_17 = arith.muli %arg1, %mul3A_16 : i32
    %add3A_18 = arith.constant 192 : i32
    %add3A_19 = arith.addi %mul3A_17, %add3A_18 : i32
    "tpu.region"() ({
      %run_scoped3A = tpu.sem_alloc : memref<!tpu.dma_semaphore, #tpu.memory_space<semaphore_mem>>
      %dma_start3A_100 = arith.constant 0 : i32
      %dma_start3A_101 = tpu.memref_slice %arg20[%add3A_19, %dma_start3A_100] : memref<10240x64xf32, #tpu.memory_space<vmem_shared>> -> memref<64x64xf32, #tpu.memory_space<vmem_shared>>
      %dma_start3A_102 = arith.constant 0 : i32
      %dma_start3A_103 = tpu.memref_slice %arg20[%add3A_19, %dma_start3A_102] : memref<10240x64xf32, #tpu.memory_space<vmem_shared>> -> memref<64x64xf32, #tpu.memory_space<vmem_shared>>
      tpu.enqueue_dma source(%arg19 : memref<64x64xf32, #tpu.memory_space<vmem>>) target(%dma_start3A_103 : memref<64x64xf32, #tpu.memory_space<vmem_shared>>) target_semaphore(%run_scoped3A : memref<!tpu.dma_semaphore, #tpu.memory_space<semaphore_mem>>)
      %dma_wait3A = arith.constant 0 : i32
      %dma_wait3A_104 = tpu.memref_slice %arg20[%add3A_19, %dma_wait3A] : memref<10240x64xf32, #tpu.memory_space<vmem_shared>> -> memref<64x64xf32, #tpu.memory_space<vmem_shared>>
      %dma_wait3A_105 = arith.constant 0 : i32
      %dma_wait3A_106 = tpu.memref_slice %arg20[%add3A_19, %dma_wait3A_105] : memref<10240x64xf32, #tpu.memory_space<vmem_shared>> -> memref<64x64xf32, #tpu.memory_space<vmem_shared>>
      tpu.wait_dma2 semaphore(%run_scoped3A : memref<!tpu.dma_semaphore, #tpu.memory_space<semaphore_mem>>) src(%arg19 : memref<64x64xf32, #tpu.memory_space<vmem>>) dst(%dma_wait3A_106 : memref<64x64xf32, #tpu.memory_space<vmem_shared>>)
      tpu.yield
    }) : () -> ()
    %mul3A_20 = arith.constant 640 : i32
    %mul3A_21 = arith.muli %arg1, %mul3A_20 : i32
    %add3A_22 = arith.constant 256 : i32
    %add3A_23 = arith.addi %mul3A_21, %add3A_22 : i32
    "tpu.region"() ({
      %run_scoped3A = tpu.sem_alloc : memref<!tpu.dma_semaphore, #tpu.memory_space<semaphore_mem>>
      %dma_start3A_100 = arith.constant 0 : i32
      %dma_start3A_101 = tpu.memref_slice %arg20[%add3A_23, %dma_start3A_100] : memref<10240x64xf32, #tpu.memory_space<vmem_shared>> -> memref<64x64xf32, #tpu.memory_space<vmem_shared>>
      %dma_start3A_102 = arith.constant 0 : i32
      %dma_start3A_103 = tpu.memref_slice %arg20[%add3A_23, %dma_start3A_102] : memref<10240x64xf32, #tpu.memory_space<vmem_shared>> -> memref<64x64xf32, #tpu.memory_space<vmem_shared>>
      tpu.enqueue_dma source(%arg19 : memref<64x64xf32, #tpu.memory_space<vmem>>) target(%dma_start3A_103 : memref<64x64xf32, #tpu.memory_space<vmem_shared>>) target_semaphore(%run_scoped3A : memref<!tpu.dma_semaphore, #tpu.memory_space<semaphore_mem>>)
      %dma_wait3A = arith.constant 0 : i32
      %dma_wait3A_104 = tpu.memref_slice %arg20[%add3A_23, %dma_wait3A] : memref<10240x64xf32, #tpu.memory_space<vmem_shared>> -> memref<64x64xf32, #tpu.memory_space<vmem_shared>>
      %dma_wait3A_105 = arith.constant 0 : i32
      %dma_wait3A_106 = tpu.memref_slice %arg20[%add3A_23, %dma_wait3A_105] : memref<10240x64xf32, #tpu.memory_space<vmem_shared>> -> memref<64x64xf32, #tpu.memory_space<vmem_shared>>
      tpu.wait_dma2 semaphore(%run_scoped3A : memref<!tpu.dma_semaphore, #tpu.memory_space<semaphore_mem>>) src(%arg19 : memref<64x64xf32, #tpu.memory_space<vmem>>) dst(%dma_wait3A_106 : memref<64x64xf32, #tpu.memory_space<vmem_shared>>)
      tpu.yield
    }) : () -> ()
    %mul3A_24 = arith.constant 640 : i32
    %mul3A_25 = arith.muli %arg1, %mul3A_24 : i32
    %add3A_26 = arith.constant 320 : i32
    %add3A_27 = arith.addi %mul3A_25, %add3A_26 : i32
    "tpu.region"() ({
      %run_scoped3A = tpu.sem_alloc : memref<!tpu.dma_semaphore, #tpu.memory_space<semaphore_mem>>
      %dma_start3A_100 = arith.constant 0 : i32
      %dma_start3A_101 = tpu.memref_slice %arg20[%add3A_27, %dma_start3A_100] : memref<10240x64xf32, #tpu.memory_space<vmem_shared>> -> memref<64x64xf32, #tpu.memory_space<vmem_shared>>
      %dma_start3A_102 = arith.constant 0 : i32
      %dma_start3A_103 = tpu.memref_slice %arg20[%add3A_27, %dma_start3A_102] : memref<10240x64xf32, #tpu.memory_space<vmem_shared>> -> memref<64x64xf32, #tpu.memory_space<vmem_shared>>
      tpu.enqueue_dma source(%arg19 : memref<64x64xf32, #tpu.memory_space<vmem>>) target(%dma_start3A_103 : memref<64x64xf32, #tpu.memory_space<vmem_shared>>) target_semaphore(%run_scoped3A : memref<!tpu.dma_semaphore, #tpu.memory_space<semaphore_mem>>)
      %dma_wait3A = arith.constant 0 : i32
      %dma_wait3A_104 = tpu.memref_slice %arg20[%add3A_27, %dma_wait3A] : memref<10240x64xf32, #tpu.memory_space<vmem_shared>> -> memref<64x64xf32, #tpu.memory_space<vmem_shared>>
      %dma_wait3A_105 = arith.constant 0 : i32
      %dma_wait3A_106 = tpu.memref_slice %arg20[%add3A_27, %dma_wait3A_105] : memref<10240x64xf32, #tpu.memory_space<vmem_shared>> -> memref<64x64xf32, #tpu.memory_space<vmem_shared>>
      tpu.wait_dma2 semaphore(%run_scoped3A : memref<!tpu.dma_semaphore, #tpu.memory_space<semaphore_mem>>) src(%arg19 : memref<64x64xf32, #tpu.memory_space<vmem>>) dst(%dma_wait3A_106 : memref<64x64xf32, #tpu.memory_space<vmem_shared>>)
      tpu.yield
    }) : () -> ()
    %mul3A_28 = arith.constant 640 : i32
    %mul3A_29 = arith.muli %arg1, %mul3A_28 : i32
    %add3A_30 = arith.constant 384 : i32
    %add3A_31 = arith.addi %mul3A_29, %add3A_30 : i32
    "tpu.region"() ({
      %run_scoped3A = tpu.sem_alloc : memref<!tpu.dma_semaphore, #tpu.memory_space<semaphore_mem>>
      %dma_start3A_100 = arith.constant 0 : i32
      %dma_start3A_101 = tpu.memref_slice %arg20[%add3A_31, %dma_start3A_100] : memref<10240x64xf32, #tpu.memory_space<vmem_shared>> -> memref<64x64xf32, #tpu.memory_space<vmem_shared>>
      %dma_start3A_102 = arith.constant 0 : i32
      %dma_start3A_103 = tpu.memref_slice %arg20[%add3A_31, %dma_start3A_102] : memref<10240x64xf32, #tpu.memory_space<vmem_shared>> -> memref<64x64xf32, #tpu.memory_space<vmem_shared>>
      tpu.enqueue_dma source(%arg19 : memref<64x64xf32, #tpu.memory_space<vmem>>) target(%dma_start3A_103 : memref<64x64xf32, #tpu.memory_space<vmem_shared>>) target_semaphore(%run_scoped3A : memref<!tpu.dma_semaphore, #tpu.memory_space<semaphore_mem>>)
      %dma_wait3A = arith.constant 0 : i32
      %dma_wait3A_104 = tpu.memref_slice %arg20[%add3A_31, %dma_wait3A] : memref<10240x64xf32, #tpu.memory_space<vmem_shared>> -> memref<64x64xf32, #tpu.memory_space<vmem_shared>>
      %dma_wait3A_105 = arith.constant 0 : i32
      %dma_wait3A_106 = tpu.memref_slice %arg20[%add3A_31, %dma_wait3A_105] : memref<10240x64xf32, #tpu.memory_space<vmem_shared>> -> memref<64x64xf32, #tpu.memory_space<vmem_shared>>
      tpu.wait_dma2 semaphore(%run_scoped3A : memref<!tpu.dma_semaphore, #tpu.memory_space<semaphore_mem>>) src(%arg19 : memref<64x64xf32, #tpu.memory_space<vmem>>) dst(%dma_wait3A_106 : memref<64x64xf32, #tpu.memory_space<vmem_shared>>)
      tpu.yield
    }) : () -> ()
    %mul3A_32 = arith.constant 640 : i32
    %mul3A_33 = arith.muli %arg1, %mul3A_32 : i32
    %add3A_34 = arith.constant 448 : i32
    %add3A_35 = arith.addi %mul3A_33, %add3A_34 : i32
    "tpu.region"() ({
      %run_scoped3A = tpu.sem_alloc : memref<!tpu.dma_semaphore, #tpu.memory_space<semaphore_mem>>
      %dma_start3A_100 = arith.constant 0 : i32
      %dma_start3A_101 = tpu.memref_slice %arg20[%add3A_35, %dma_start3A_100] : memref<10240x64xf32, #tpu.memory_space<vmem_shared>> -> memref<64x64xf32, #tpu.memory_space<vmem_shared>>
      %dma_start3A_102 = arith.constant 0 : i32
      %dma_start3A_103 = tpu.memref_slice %arg20[%add3A_35, %dma_start3A_102] : memref<10240x64xf32, #tpu.memory_space<vmem_shared>> -> memref<64x64xf32, #tpu.memory_space<vmem_shared>>
      tpu.enqueue_dma source(%arg19 : memref<64x64xf32, #tpu.memory_space<vmem>>) target(%dma_start3A_103 : memref<64x64xf32, #tpu.memory_space<vmem_shared>>) target_semaphore(%run_scoped3A : memref<!tpu.dma_semaphore, #tpu.memory_space<semaphore_mem>>)
      %dma_wait3A = arith.constant 0 : i32
      %dma_wait3A_104 = tpu.memref_slice %arg20[%add3A_35, %dma_wait3A] : memref<10240x64xf32, #tpu.memory_space<vmem_shared>> -> memref<64x64xf32, #tpu.memory_space<vmem_shared>>
      %dma_wait3A_105 = arith.constant 0 : i32
      %dma_wait3A_106 = tpu.memref_slice %arg20[%add3A_35, %dma_wait3A_105] : memref<10240x64xf32, #tpu.memory_space<vmem_shared>> -> memref<64x64xf32, #tpu.memory_space<vmem_shared>>
      tpu.wait_dma2 semaphore(%run_scoped3A : memref<!tpu.dma_semaphore, #tpu.memory_space<semaphore_mem>>) src(%arg19 : memref<64x64xf32, #tpu.memory_space<vmem>>) dst(%dma_wait3A_106 : memref<64x64xf32, #tpu.memory_space<vmem_shared>>)
      tpu.yield
    }) : () -> ()
    %mul3A_36 = arith.constant 640 : i32
    %mul3A_37 = arith.muli %arg1, %mul3A_36 : i32
    %add3A_38 = arith.constant 512 : i32
    %add3A_39 = arith.addi %mul3A_37, %add3A_38 : i32
    "tpu.region"() ({
      %run_scoped3A = tpu.sem_alloc : memref<!tpu.dma_semaphore, #tpu.memory_space<semaphore_mem>>
      %dma_start3A_100 = arith.constant 0 : i32
      %dma_start3A_101 = tpu.memref_slice %arg20[%add3A_39, %dma_start3A_100] : memref<10240x64xf32, #tpu.memory_space<vmem_shared>> -> memref<64x64xf32, #tpu.memory_space<vmem_shared>>
      %dma_start3A_102 = arith.constant 0 : i32
      %dma_start3A_103 = tpu.memref_slice %arg20[%add3A_39, %dma_start3A_102] : memref<10240x64xf32, #tpu.memory_space<vmem_shared>> -> memref<64x64xf32, #tpu.memory_space<vmem_shared>>
      tpu.enqueue_dma source(%arg19 : memref<64x64xf32, #tpu.memory_space<vmem>>) target(%dma_start3A_103 : memref<64x64xf32, #tpu.memory_space<vmem_shared>>) target_semaphore(%run_scoped3A : memref<!tpu.dma_semaphore, #tpu.memory_space<semaphore_mem>>)
      %dma_wait3A = arith.constant 0 : i32
      %dma_wait3A_104 = tpu.memref_slice %arg20[%add3A_39, %dma_wait3A] : memref<10240x64xf32, #tpu.memory_space<vmem_shared>> -> memref<64x64xf32, #tpu.memory_space<vmem_shared>>
      %dma_wait3A_105 = arith.constant 0 : i32
      %dma_wait3A_106 = tpu.memref_slice %arg20[%add3A_39, %dma_wait3A_105] : memref<10240x64xf32, #tpu.memory_space<vmem_shared>> -> memref<64x64xf32, #tpu.memory_space<vmem_shared>>
      tpu.wait_dma2 semaphore(%run_scoped3A : memref<!tpu.dma_semaphore, #tpu.memory_space<semaphore_mem>>) src(%arg19 : memref<64x64xf32, #tpu.memory_space<vmem>>) dst(%dma_wait3A_106 : memref<64x64xf32, #tpu.memory_space<vmem_shared>>)
      tpu.yield
    }) : () -> ()
    %mul3A_40 = arith.constant 640 : i32
    %mul3A_41 = arith.muli %arg1, %mul3A_40 : i32
    %add3A_42 = arith.constant 576 : i32
    %add3A_43 = arith.addi %mul3A_41, %add3A_42 : i32
    "tpu.region"() ({
      %run_scoped3A = tpu.sem_alloc : memref<!tpu.dma_semaphore, #tpu.memory_space<semaphore_mem>>
      %dma_start3A_100 = arith.constant 0 : i32
      %dma_start3A_101 = tpu.memref_slice %arg20[%add3A_43, %dma_start3A_100] : memref<10240x64xf32, #tpu.memory_space<vmem_shared>> -> memref<64x64xf32, #tpu.memory_space<vmem_shared>>
      %dma_start3A_102 = arith.constant 0 : i32
      %dma_start3A_103 = tpu.memref_slice %arg20[%add3A_43, %dma_start3A_102] : memref<10240x64xf32, #tpu.memory_space<vmem_shared>> -> memref<64x64xf32, #tpu.memory_space<vmem_shared>>
      tpu.enqueue_dma source(%arg19 : memref<64x64xf32, #tpu.memory_space<vmem>>) target(%dma_start3A_103 : memref<64x64xf32, #tpu.memory_space<vmem_shared>>) target_semaphore(%run_scoped3A : memref<!tpu.dma_semaphore, #tpu.memory_space<semaphore_mem>>)
      %dma_wait3A = arith.constant 0 : i32
      %dma_wait3A_104 = tpu.memref_slice %arg20[%add3A_43, %dma_wait3A] : memref<10240x64xf32, #tpu.memory_space<vmem_shared>> -> memref<64x64xf32, #tpu.memory_space<vmem_shared>>
      %dma_wait3A_105 = arith.constant 0 : i32
      %dma_wait3A_106 = tpu.memref_slice %arg20[%add3A_43, %dma_wait3A_105] : memref<10240x64xf32, #tpu.memory_space<vmem_shared>> -> memref<64x64xf32, #tpu.memory_space<vmem_shared>>
      tpu.wait_dma2 semaphore(%run_scoped3A : memref<!tpu.dma_semaphore, #tpu.memory_space<semaphore_mem>>) src(%arg19 : memref<64x64xf32, #tpu.memory_space<vmem>>) dst(%dma_wait3A_106 : memref<64x64xf32, #tpu.memory_space<vmem_shared>>)
      tpu.yield
    }) : () -> ()
    %barrier3A = arith.constant 0 : index
    tpu.barrier barrier_id(%barrier3A)
    %mul3A_44 = arith.constant 20000 : i32
    %mul3A_45 = arith.muli %arg1, %mul3A_44 : i32
    %add3A_46 = arith.constant 0 : i32
    %add3A_47 = arith.addi %mul3A_45, %add3A_46 : i32
    "tpu.region"() ({
      %run_scoped3A = tpu.sem_alloc : memref<!tpu.dma_semaphore, #tpu.memory_space<semaphore_mem>>
      %dma_start3A_100 = tpu.memref_slice %arg2[%add3A_47] : memref<320000xi32, #tpu.memory_space<hbm>> -> memref<80xi32, #tpu.memory_space<hbm>>
      %dma_start3A_101 = tpu.memref_slice %arg2[%add3A_47] : memref<320000xi32, #tpu.memory_space<hbm>> -> memref<80xi32, #tpu.memory_space<hbm>>
      tpu.enqueue_dma source(%dma_start3A_101 : memref<80xi32, #tpu.memory_space<hbm>>) target(%arg8 : memref<80xi32, #tpu.memory_space<vmem>>) target_semaphore(%run_scoped3A : memref<!tpu.dma_semaphore, #tpu.memory_space<semaphore_mem>>)
      %dma_wait3A = tpu.memref_slice %arg2[%add3A_47] : memref<320000xi32, #tpu.memory_space<hbm>> -> memref<80xi32, #tpu.memory_space<hbm>>
      %dma_wait3A_102 = tpu.memref_slice %arg2[%add3A_47] : memref<320000xi32, #tpu.memory_space<hbm>> -> memref<80xi32, #tpu.memory_space<hbm>>
      tpu.wait_dma2 semaphore(%run_scoped3A : memref<!tpu.dma_semaphore, #tpu.memory_space<semaphore_mem>>) src(%dma_wait3A_102 : memref<80xi32, #tpu.memory_space<hbm>>) dst(%arg8 : memref<80xi32, #tpu.memory_space<vmem>>)
      tpu.yield
    }) : () -> ()
    %mul3A_48 = arith.constant 20000 : i32
    %mul3A_49 = arith.muli %arg1, %mul3A_48 : i32
    %add3A_50 = arith.constant 0 : i32
    %add3A_51 = arith.addi %mul3A_49, %add3A_50 : i32
    "tpu.region"() ({
      %run_scoped3A = tpu.sem_alloc : memref<!tpu.dma_semaphore, #tpu.memory_space<semaphore_mem>>
      %dma_start3A_100 = tpu.memref_slice %arg3[%add3A_51] : memref<320000xi32, #tpu.memory_space<hbm>> -> memref<80xi32, #tpu.memory_space<hbm>>
      %dma_start3A_101 = tpu.memref_slice %arg3[%add3A_51] : memref<320000xi32, #tpu.memory_space<hbm>> -> memref<80xi32, #tpu.memory_space<hbm>>
      tpu.enqueue_dma source(%dma_start3A_101 : memref<80xi32, #tpu.memory_space<hbm>>) target(%arg10 : memref<80xi32, #tpu.memory_space<vmem>>) target_semaphore(%run_scoped3A : memref<!tpu.dma_semaphore, #tpu.memory_space<semaphore_mem>>)
      %dma_wait3A = tpu.memref_slice %arg3[%add3A_51] : memref<320000xi32, #tpu.memory_space<hbm>> -> memref<80xi32, #tpu.memory_space<hbm>>
      %dma_wait3A_102 = tpu.memref_slice %arg3[%add3A_51] : memref<320000xi32, #tpu.memory_space<hbm>> -> memref<80xi32, #tpu.memory_space<hbm>>
      tpu.wait_dma2 semaphore(%run_scoped3A : memref<!tpu.dma_semaphore, #tpu.memory_space<semaphore_mem>>) src(%dma_wait3A_102 : memref<80xi32, #tpu.memory_space<hbm>>) dst(%arg10 : memref<80xi32, #tpu.memory_space<vmem>>)
      tpu.yield
    }) : () -> ()
    %mul3A_52 = arith.constant 20000 : i32
    %mul3A_53 = arith.muli %arg1, %mul3A_52 : i32
    %add3A_54 = arith.constant 0 : i32
    %add3A_55 = arith.addi %mul3A_53, %add3A_54 : i32
    "tpu.region"() ({
      %run_scoped3A = tpu.sem_alloc : memref<!tpu.dma_semaphore, #tpu.memory_space<semaphore_mem>>
      %dma_start3A_100 = arith.constant 0 : i32
      %dma_start3A_101 = tpu.memref_slice %arg4[%add3A_55, %dma_start3A_100] : memref<320000x4xf32, #tpu.memory_space<hbm>> -> memref<80x4xf32, #tpu.memory_space<hbm>>
      %dma_start3A_102 = arith.constant 0 : i32
      %dma_start3A_103 = tpu.memref_slice %arg4[%add3A_55, %dma_start3A_102] : memref<320000x4xf32, #tpu.memory_space<hbm>> -> memref<80x4xf32, #tpu.memory_space<hbm>>
      tpu.enqueue_dma source(%dma_start3A_103 : memref<80x4xf32, #tpu.memory_space<hbm>>) target(%arg14 : memref<80x4xf32, #tpu.memory_space<vmem>>) target_semaphore(%run_scoped3A : memref<!tpu.dma_semaphore, #tpu.memory_space<semaphore_mem>>)
      %dma_wait3A = arith.constant 0 : i32
      %dma_wait3A_104 = tpu.memref_slice %arg4[%add3A_55, %dma_wait3A] : memref<320000x4xf32, #tpu.memory_space<hbm>> -> memref<80x4xf32, #tpu.memory_space<hbm>>
      %dma_wait3A_105 = arith.constant 0 : i32
      %dma_wait3A_106 = tpu.memref_slice %arg4[%add3A_55, %dma_wait3A_105] : memref<320000x4xf32, #tpu.memory_space<hbm>> -> memref<80x4xf32, #tpu.memory_space<hbm>>
      tpu.wait_dma2 semaphore(%run_scoped3A : memref<!tpu.dma_semaphore, #tpu.memory_space<semaphore_mem>>) src(%dma_wait3A_106 : memref<80x4xf32, #tpu.memory_space<hbm>>) dst(%arg14 : memref<80x4xf32, #tpu.memory_space<vmem>>)
      tpu.yield
    }) : () -> ()
    %scan3A_56 = arith.constant 0 : i32
    %scan3A_57 = arith.constant 0 : i32
    %scan3A_58 = arith.constant 5 : i32
    %scan3A_59 = arith.addi %scan3A_57, %scan3A_58 : i32
    %scan3A_60 = arith.constant 1 : i32
    %scan3A_61 = scf.for %scan3A_100 = %scan3A_57 to %scan3A_59 step %scan3A_60 iter_args(%scan3A_101 = %scan3A_56) -> (i32)  : i32 {
      %mul3A_102 = arith.constant 16 : i32
      %mul3A_103 = arith.muli %scan3A_100, %mul3A_102 : i32
      %iota3A = tpu.iota {dimensions = array<i32: 0>} : vector<16xi32>
      %add3A_104 = vector.broadcast %mul3A_103 : i32 to vector<16xi32>
      %add3A_105 = arith.addi %add3A_104, %iota3A : vector<16xi32>
      %mul3A_106 = arith.constant 16 : i32
      %mul3A_107 = arith.muli %scan3A_100, %mul3A_106 : i32
      %get3A = arith.index_cast %mul3A_107 : i32 to index
      %get3A_108 = tpu.vector_load %arg8[%get3A] {strides = array<i32>} : memref<80xi32, #tpu.memory_space<vmem>>, vector<16xi32>,
      %mul3A_109 = arith.constant 2 : i32
      %mul3A_110 = vector.broadcast %mul3A_109 : i32 to vector<16xi32>
      %mul3A_111 = arith.muli %get3A_108, %mul3A_110 : vector<16xi32>
      %add3A_112 = vector.broadcast %arg0 : i32 to vector<16xi32>
      %add3A_113 = arith.addi %mul3A_111, %add3A_112 : vector<16xi32>
      tpu.vector_store_idx %arg12[%add3A_105], %add3A_113 : memref<80xi32, #tpu.memory_space<vmem>>[vector<16xi32>], vector<16xi32>,
      %scan3A_114 = arith.constant 0 : i32
      scf.yield %scan3A_114 : i32
    }
    %scan3A_62 = arith.constant 5 : i32
    %dma_start3A = arith.constant 0 : i32
    %dma_start3A_63 = arith.constant 0 : i32
    %dma_start3A_64 = tpu.memref_slice %arg5[%dma_start3A, %dma_start3A_63] : memref<20000x64xf32, #tpu.memory_space<hbm>> -> memref<20000x64xf32, #tpu.memory_space<hbm>>
    tpu.enqueue_indirect_dma source(%dma_start3A_64 : memref<20000x64xf32, #tpu.memory_space<hbm>>) target(%arg16 : memref<80x64xf32, #tpu.memory_space<vmem>>) offsets(%arg12 : memref<80xi32, #tpu.memory_space<vmem>>) semaphore(%arg22 : memref<!tpu.dma_semaphore, #tpu.memory_space<semaphore_mem>>)
    %mul3A_65 = arith.constant 20000 : i32
    %mul3A_66 = arith.muli %arg1, %mul3A_65 : i32
    %add3A_67 = arith.constant 80 : i32
    %add3A_68 = arith.addi %mul3A_66, %add3A_67 : i32
    %dma_start3A_69 = tpu.memref_slice %arg2[%add3A_68] : memref<320000xi32, #tpu.memory_space<hbm>> -> memref<80xi32, #tpu.memory_space<hbm>>
    %dma_start3A_70 = tpu.memref_slice %arg2[%add3A_68] : memref<320000xi32, #tpu.memory_space<hbm>> -> memref<80xi32, #tpu.memory_space<hbm>>
    tpu.enqueue_dma source(%dma_start3A_70 : memref<80xi32, #tpu.memory_space<hbm>>) target(%arg9 : memref<80xi32, #tpu.memory_space<vmem>>) target_semaphore(%arg21 : memref<!tpu.dma_semaphore, #tpu.memory_space<semaphore_mem>>)
    %mul3A_71 = arith.constant 20000 : i32
    %mul3A_72 = arith.muli %arg1, %mul3A_71 : i32
    %add3A_73 = arith.constant 80 : i32
    %add3A_74 = arith.addi %mul3A_72, %add3A_73 : i32
    %dma_start3A_75 = tpu.memref_slice %arg3[%add3A_74] : memref<320000xi32, #tpu.memory_space<hbm>> -> memref<80xi32, #tpu.memory_space<hbm>>
    %dma_start3A_76 = tpu.memref_slice %arg3[%add3A_74] : memref<320000xi32, #tpu.memory_space<hbm>> -> memref<80xi32, #tpu.memory_space<hbm>>
    tpu.enqueue_dma source(%dma_start3A_76 : memref<80xi32, #tpu.memory_space<hbm>>) target(%arg11 : memref<80xi32, #tpu.memory_space<vmem>>) target_semaphore(%arg21 : memref<!tpu.dma_semaphore, #tpu.memory_space<semaphore_mem>>)
    %mul3A_77 = arith.constant 20000 : i32
    %mul3A_78 = arith.muli %arg1, %mul3A_77 : i32
    %add3A_79 = arith.constant 80 : i32
    %add3A_80 = arith.addi %mul3A_78, %add3A_79 : i32
    %dma_start3A_81 = arith.constant 0 : i32
    %dma_start3A_82 = tpu.memref_slice %arg4[%add3A_80, %dma_start3A_81] : memref<320000x4xf32, #tpu.memory_space<hbm>> -> memref<80x4xf32, #tpu.memory_space<hbm>>
    %dma_start3A_83 = arith.constant 0 : i32
    %dma_start3A_84 = tpu.memref_slice %arg4[%add3A_80, %dma_start3A_83] : memref<320000x4xf32, #tpu.memory_space<hbm>> -> memref<80x4xf32, #tpu.memory_space<hbm>>
    tpu.enqueue_dma source(%dma_start3A_84 : memref<80x4xf32, #tpu.memory_space<hbm>>) target(%arg15 : memref<80x4xf32, #tpu.memory_space<vmem>>) target_semaphore(%arg21 : memref<!tpu.dma_semaphore, #tpu.memory_space<semaphore_mem>>)
    %scan3A_85 = arith.constant 0 : i32
    %scan3A_86 = arith.constant 0 : i32
    %scan3A_87 = arith.constant 125 : i32
    %scan3A_88 = arith.addi %scan3A_86, %scan3A_87 : i32
    %scan3A_89 = arith.constant 1 : i32
    %scan3A_90 = scf.for %scan3A_100 = %scan3A_86 to %scan3A_88 step %scan3A_89 iter_args(%scan3A_101 = %scan3A_85) -> (i32)  : i32 {
      %mul3A_102 = arith.constant 2 : i32
      %mul3A_103 = arith.muli %mul3A_102, %scan3A_100 : i32
      %add3A_104 = arith.constant 1 : i32
      %add3A_105 = arith.addi %mul3A_103, %add3A_104 : i32
      %mul3A_106 = arith.constant 20000 : i32
      %mul3A_107 = arith.muli %arg1, %mul3A_106 : i32
      %mul3A_108 = arith.constant 80 : i32
      %mul3A_109 = arith.muli %add3A_105, %mul3A_108 : i32
      %add3A_110 = arith.addi %mul3A_107, %mul3A_109 : i32
      %dma_wait3A = tpu.memref_slice %arg2[%add3A_110] : memref<320000xi32, #tpu.memory_space<hbm>> -> memref<80xi32, #tpu.memory_space<hbm>>
      %dma_wait3A_111 = tpu.memref_slice %arg2[%add3A_110] : memref<320000xi32, #tpu.memory_space<hbm>> -> memref<80xi32, #tpu.memory_space<hbm>>
      tpu.wait_dma2 semaphore(%arg21 : memref<!tpu.dma_semaphore, #tpu.memory_space<semaphore_mem>>) src(%dma_wait3A_111 : memref<80xi32, #tpu.memory_space<hbm>>) dst(%arg9 : memref<80xi32, #tpu.memory_space<vmem>>)
      %mul3A_112 = arith.constant 20000 : i32
      %mul3A_113 = arith.muli %arg1, %mul3A_112 : i32
      %mul3A_114 = arith.constant 80 : i32
      %mul3A_115 = arith.muli %add3A_105, %mul3A_114 : i32
      %add3A_116 = arith.addi %mul3A_113, %mul3A_115 : i32
      %dma_wait3A_117 = tpu.memref_slice %arg3[%add3A_116] : memref<320000xi32, #tpu.memory_space<hbm>> -> memref<80xi32, #tpu.memory_space<hbm>>
      %dma_wait3A_118 = tpu.memref_slice %arg3[%add3A_116] : memref<320000xi32, #tpu.memory_space<hbm>> -> memref<80xi32, #tpu.memory_space<hbm>>
      tpu.wait_dma2 semaphore(%arg21 : memref<!tpu.dma_semaphore, #tpu.memory_space<semaphore_mem>>) src(%dma_wait3A_118 : memref<80xi32, #tpu.memory_space<hbm>>) dst(%arg11 : memref<80xi32, #tpu.memory_space<vmem>>)
      %mul3A_119 = arith.constant 20000 : i32
      %mul3A_120 = arith.muli %arg1, %mul3A_119 : i32
      %mul3A_121 = arith.constant 80 : i32
      %mul3A_122 = arith.muli %add3A_105, %mul3A_121 : i32
      %add3A_123 = arith.addi %mul3A_120, %mul3A_122 : i32
      %dma_wait3A_124 = arith.constant 0 : i32
      %dma_wait3A_125 = tpu.memref_slice %arg4[%add3A_123, %dma_wait3A_124] : memref<320000x4xf32, #tpu.memory_space<hbm>> -> memref<80x4xf32, #tpu.memory_space<hbm>>
      %dma_wait3A_126 = arith.constant 0 : i32
      %dma_wait3A_127 = tpu.memref_slice %arg4[%add3A_123, %dma_wait3A_126] : memref<320000x4xf32, #tpu.memory_space<hbm>> -> memref<80x4xf32, #tpu.memory_space<hbm>>
      tpu.wait_dma2 semaphore(%arg21 : memref<!tpu.dma_semaphore, #tpu.memory_space<semaphore_mem>>) src(%dma_wait3A_127 : memref<80x4xf32, #tpu.memory_space<hbm>>) dst(%arg15 : memref<80x4xf32, #tpu.memory_space<vmem>>)
      %scan3A_128 = arith.constant 0 : i32
      %scan3A_129 = arith.constant 0 : i32
      %scan3A_130 = arith.constant 5 : i32
      %scan3A_131 = arith.addi %scan3A_129, %scan3A_130 : i32
      %scan3A_132 = arith.constant 1 : i32
      %scan3A_133 = scf.for %scan3A_182 = %scan3A_129 to %scan3A_131 step %scan3A_132 iter_args(%scan3A_183 = %scan3A_128) -> (i32)  : i32 {
        %mul3A_184 = arith.constant 16 : i32
        %mul3A_185 = arith.muli %scan3A_182, %mul3A_184 : i32
        %iota3A = tpu.iota {dimensions = array<i32: 0>} : vector<16xi32>
        %add3A_186 = vector.broadcast %mul3A_185 : i32 to vector<16xi32>
        %add3A_187 = arith.addi %add3A_186, %iota3A : vector<16xi32>
        %mul3A_188 = arith.constant 16 : i32
        %mul3A_189 = arith.muli %scan3A_182, %mul3A_188 : i32
        %get3A = arith.index_cast %mul3A_189 : i32 to index
        %get3A_190 = tpu.vector_load %arg9[%get3A] {strides = array<i32>} : memref<80xi32, #tpu.memory_space<vmem>>, vector<16xi32>,
        %mul3A_191 = arith.constant 2 : i32
        %mul3A_192 = vector.broadcast %mul3A_191 : i32 to vector<16xi32>
        %mul3A_193 = arith.muli %get3A_190, %mul3A_192 : vector<16xi32>
        %add3A_194 = vector.broadcast %arg0 : i32 to vector<16xi32>
        %add3A_195 = arith.addi %mul3A_193, %add3A_194 : vector<16xi32>
        tpu.vector_store_idx %arg13[%add3A_187], %add3A_195 : memref<80xi32, #tpu.memory_space<vmem>>[vector<16xi32>], vector<16xi32>,
        %scan3A_196 = arith.constant 0 : i32
        scf.yield %scan3A_196 : i32
      }
      %scan3A_134 = arith.constant 5 : i32
      %dma_start3A_135 = arith.constant 0 : i32
      %dma_start3A_136 = arith.constant 0 : i32
      %dma_start3A_137 = tpu.memref_slice %arg5[%dma_start3A_135, %dma_start3A_136] : memref<20000x64xf32, #tpu.memory_space<hbm>> -> memref<20000x64xf32, #tpu.memory_space<hbm>>
      tpu.enqueue_indirect_dma source(%dma_start3A_137 : memref<20000x64xf32, #tpu.memory_space<hbm>>) target(%arg17 : memref<80x64xf32, #tpu.memory_space<vmem>>) offsets(%arg13 : memref<80xi32, #tpu.memory_space<vmem>>) semaphore(%arg22 : memref<!tpu.dma_semaphore, #tpu.memory_space<semaphore_mem>>)
      %dma_wait3A_138 = arith.constant 0 : i32
      %dma_wait3A_139 = arith.constant 0 : i32
      %dma_wait3A_140 = tpu.memref_slice %arg5[%dma_wait3A_138, %dma_wait3A_139] : memref<20000x64xf32, #tpu.memory_space<hbm>> -> memref<20000x64xf32, #tpu.memory_space<hbm>>
      tpu.wait_indirect_dma semaphore(%arg22 : memref<!tpu.dma_semaphore, #tpu.memory_space<semaphore_mem>>) src(%dma_wait3A_140 : memref<20000x64xf32, #tpu.memory_space<hbm>>) dst(%arg16 : memref<80x64xf32, #tpu.memory_space<vmem>>)
      %scan3A_141 = arith.constant 0 : i32
      %scan3A_142 = arith.constant 0 : i32
      %scan3A_143 = arith.constant 5 : i32
      %scan3A_144 = arith.addi %scan3A_142, %scan3A_143 : i32
      %scan3A_145 = arith.constant 1 : i32
      %scan3A_146 = scf.for %scan3A_182 = %scan3A_142 to %scan3A_144 step %scan3A_145 iter_args(%scan3A_183 = %scan3A_141) -> (i32)  : i32 {
        %mul3A_184 = arith.constant 16 : i32
        %mul3A_185 = arith.muli %scan3A_182, %mul3A_184 : i32
        %iota3A = tpu.iota {dimensions = array<i32: 0>} : vector<16xi32>
        %add3A_186 = vector.broadcast %mul3A_185 : i32 to vector<16xi32>
        %add3A_187 = arith.addi %add3A_186, %iota3A : vector<16xi32>
        %broadcast_in_dim3A = arith.constant 0 : i32
        %broadcast_in_dim3A_188 = vector.broadcast %broadcast_in_dim3A : i32 to vector<16xi32>
        %mul3A_189 = arith.constant 2 : i32
        %mul3A_190 = arith.muli %mul3A_189, %arg0 : i32
        %add3A_191 = arith.constant 0 : i32
        %add3A_192 = arith.addi %mul3A_190, %add3A_191 : i32
        %add3A_193 = vector.broadcast %add3A_192 : i32 to vector<16xi32>
        %add3A_194 = arith.addi %broadcast_in_dim3A_188, %add3A_193 : vector<16xi32>
        %gather3A = tpu.vector_load_idx %arg14[%add3A_187, %add3A_194] : memref<80x4xf32, #tpu.memory_space<vmem>>[vector<16xi32>, vector<16xi32>], vector<16xf32>,
        %mul3A_195 = arith.constant 2 : i32
        %mul3A_196 = vector.broadcast %mul3A_195 : i32 to vector<16xi32>
        %mul3A_197 = arith.muli %add3A_187, %mul3A_196 : vector<16xi32>
        %add3A_198 = arith.constant 0 : i32
        %add3A_199 = vector.broadcast %add3A_198 : i32 to vector<16xi32>
        %add3A_200 = arith.addi %mul3A_197, %add3A_199 : vector<16xi32>
        tpu.vector_store_idx %arg18[%add3A_200], %gather3A : memref<160xf32, #tpu.memory_space<vmem>>[vector<16xi32>], vector<16xf32>,
        %broadcast_in_dim3A_201 = arith.constant 0 : i32
        %broadcast_in_dim3A_202 = vector.broadcast %broadcast_in_dim3A_201 : i32 to vector<16xi32>
        %mul3A_203 = arith.constant 2 : i32
        %mul3A_204 = arith.muli %mul3A_203, %arg0 : i32
        %add3A_205 = arith.constant 1 : i32
        %add3A_206 = arith.addi %mul3A_204, %add3A_205 : i32
        %add3A_207 = vector.broadcast %add3A_206 : i32 to vector<16xi32>
        %add3A_208 = arith.addi %broadcast_in_dim3A_202, %add3A_207 : vector<16xi32>
        %gather3A_209 = tpu.vector_load_idx %arg14[%add3A_187, %add3A_208] : memref<80x4xf32, #tpu.memory_space<vmem>>[vector<16xi32>, vector<16xi32>], vector<16xf32>,
        %mul3A_210 = arith.constant 2 : i32
        %mul3A_211 = vector.broadcast %mul3A_210 : i32 to vector<16xi32>
        %mul3A_212 = arith.muli %add3A_187, %mul3A_211 : vector<16xi32>
        %add3A_213 = arith.constant 1 : i32
        %add3A_214 = vector.broadcast %add3A_213 : i32 to vector<16xi32>
        %add3A_215 = arith.addi %mul3A_212, %add3A_214 : vector<16xi32>
        tpu.vector_store_idx %arg18[%add3A_215], %gather3A_209 : memref<160xf32, #tpu.memory_space<vmem>>[vector<16xi32>], vector<16xf32>,
        %scan3A_216 = arith.constant 0 : i32
        scf.yield %scan3A_216 : i32
      }
      %scan3A_147 = arith.constant 5 : i32
      %scan3A_148 = arith.constant 0 : i32
      %scan3A_149 = arith.constant 0 : i32
      %scan3A_150 = arith.constant 80 : i32
      %scan3A_151 = arith.addi %scan3A_149, %scan3A_150 : i32
      %scan3A_152 = arith.constant 1 : i32
      %scan3A_153 = scf.for %scan3A_182 = %scan3A_149 to %scan3A_151 step %scan3A_152 iter_args(%scan3A_183 = %scan3A_148) -> (i32)  : i32 {
        %broadcast_in_dim3A = arith.constant 0 : i32
        %broadcast_in_dim3A_184 = vector.broadcast %broadcast_in_dim3A : i32 to vector<16xi32>
        %mul3A_185 = arith.constant 2 : i32
        %mul3A_186 = arith.muli %scan3A_182, %mul3A_185 : i32
        %add3A_187 = arith.constant 0 : i32
        %add3A_188 = arith.addi %mul3A_186, %add3A_187 : i32
        %add3A_189 = vector.broadcast %add3A_188 : i32 to vector<16xi32>
        %add3A_190 = arith.addi %broadcast_in_dim3A_184, %add3A_189 : vector<16xi32>
        %gather3A = tpu.vector_load_idx %arg18[%add3A_190] : memref<160xf32, #tpu.memory_space<vmem>>[vector<16xi32>], vector<16xf32>,
        %get3A = arith.index_cast %scan3A_182 : i32 to index
        %get3A_191 = arith.constant 0 : index
        %get3A_192 = tpu.vector_load %arg16[%get3A, %get3A_191] {strides = array<i32>} : memref<80x64xf32, #tpu.memory_space<vmem>>, vector<16xf32>,
        %mul3A_193 = arith.mulf %get3A_192, %gather3A : vector<16xf32>
        %swap3A = arith.index_cast %scan3A_182 : i32 to index
        %swap3A_194 = arith.constant 0 : index
        %swap3A_195 = tpu.vector_load %arg16[%swap3A, %swap3A_194] {strides = array<i32>} : memref<80x64xf32, #tpu.memory_space<vmem>>, vector<16xf32>,
        tpu.vector_store %arg16[%swap3A, %swap3A_194], %mul3A_193 {strides = array<i32>} : memref<80x64xf32, #tpu.memory_space<vmem>>, vector<16xf32>,
        %get3A_196 = arith.index_cast %scan3A_182 : i32 to index
        %get3A_197 = arith.constant 16 : index
        %get3A_198 = tpu.vector_load %arg16[%get3A_196, %get3A_197] {strides = array<i32>} : memref<80x64xf32, #tpu.memory_space<vmem>>, vector<16xf32>,
        %mul3A_199 = arith.mulf %get3A_198, %gather3A : vector<16xf32>
        %swap3A_200 = arith.index_cast %scan3A_182 : i32 to index
        %swap3A_201 = arith.constant 16 : index
        %swap3A_202 = tpu.vector_load %arg16[%swap3A_200, %swap3A_201] {strides = array<i32>} : memref<80x64xf32, #tpu.memory_space<vmem>>, vector<16xf32>,
        tpu.vector_store %arg16[%swap3A_200, %swap3A_201], %mul3A_199 {strides = array<i32>} : memref<80x64xf32, #tpu.memory_space<vmem>>, vector<16xf32>,
        %broadcast_in_dim3A_203 = arith.constant 0 : i32
        %broadcast_in_dim3A_204 = vector.broadcast %broadcast_in_dim3A_203 : i32 to vector<16xi32>
        %mul3A_205 = arith.constant 2 : i32
        %mul3A_206 = arith.muli %scan3A_182, %mul3A_205 : i32
        %add3A_207 = arith.constant 1 : i32
        %add3A_208 = arith.addi %mul3A_206, %add3A_207 : i32
        %add3A_209 = vector.broadcast %add3A_208 : i32 to vector<16xi32>
        %add3A_210 = arith.addi %broadcast_in_dim3A_204, %add3A_209 : vector<16xi32>
        %gather3A_211 = tpu.vector_load_idx %arg18[%add3A_210] : memref<160xf32, #tpu.memory_space<vmem>>[vector<16xi32>], vector<16xf32>,
        %get3A_212 = arith.index_cast %scan3A_182 : i32 to index
        %get3A_213 = arith.constant 32 : index
        %get3A_214 = tpu.vector_load %arg16[%get3A_212, %get3A_213] {strides = array<i32>} : memref<80x64xf32, #tpu.memory_space<vmem>>, vector<16xf32>,
        %mul3A_215 = arith.mulf %get3A_214, %gather3A_211 : vector<16xf32>
        %swap3A_216 = arith.index_cast %scan3A_182 : i32 to index
        %swap3A_217 = arith.constant 32 : index
        %swap3A_218 = tpu.vector_load %arg16[%swap3A_216, %swap3A_217] {strides = array<i32>} : memref<80x64xf32, #tpu.memory_space<vmem>>, vector<16xf32>,
        tpu.vector_store %arg16[%swap3A_216, %swap3A_217], %mul3A_215 {strides = array<i32>} : memref<80x64xf32, #tpu.memory_space<vmem>>, vector<16xf32>,
        %get3A_219 = arith.index_cast %scan3A_182 : i32 to index
        %get3A_220 = arith.constant 48 : index
        %get3A_221 = tpu.vector_load %arg16[%get3A_219, %get3A_220] {strides = array<i32>} : memref<80x64xf32, #tpu.memory_space<vmem>>, vector<16xf32>,
        %mul3A_222 = arith.mulf %get3A_221, %gather3A_211 : vector<16xf32>
        %swap3A_223 = arith.index_cast %scan3A_182 : i32 to index
        %swap3A_224 = arith.constant 48 : index
        %swap3A_225 = tpu.vector_load %arg16[%swap3A_223, %swap3A_224] {strides = array<i32>} : memref<80x64xf32, #tpu.memory_space<vmem>>, vector<16xf32>,
        tpu.vector_store %arg16[%swap3A_223, %swap3A_224], %mul3A_222 {strides = array<i32>} : memref<80x64xf32, #tpu.memory_space<vmem>>, vector<16xf32>,
        %scan3A_226 = arith.constant 0 : i32
        scf.yield %scan3A_226 : i32
      }
      %scan3A_154 = arith.constant 80 : i32
      "tpu.region"() ({
        %run_scoped3A = tpu.sem_alloc : memref<!tpu.dma_semaphore, #tpu.memory_space<semaphore_mem>>
        %dma_start3A_182 = arith.constant 0 : i32
        %dma_start3A_183 = arith.constant 0 : i32
        %dma_start3A_184 = tpu.memref_slice %arg20[%dma_start3A_182, %dma_start3A_183] : memref<10240x64xf32, #tpu.memory_space<vmem_shared>> -> memref<10240x64xf32, #tpu.memory_space<vmem_shared>>
        tpu.enqueue_indirect_dma source(%arg16 : memref<80x64xf32, #tpu.memory_space<vmem>>) target(%dma_start3A_184 : memref<10240x64xf32, #tpu.memory_space<vmem_shared>>) offsets(%arg10 : memref<80xi32, #tpu.memory_space<vmem>>) semaphore(%run_scoped3A : memref<!tpu.dma_semaphore, #tpu.memory_space<semaphore_mem>>) {add = true}
        %dma_wait3A_185 = arith.constant 0 : i32
        %dma_wait3A_186 = arith.constant 0 : i32
        %dma_wait3A_187 = tpu.memref_slice %arg20[%dma_wait3A_185, %dma_wait3A_186] : memref<10240x64xf32, #tpu.memory_space<vmem_shared>> -> memref<10240x64xf32, #tpu.memory_space<vmem_shared>>
        tpu.wait_indirect_dma semaphore(%run_scoped3A : memref<!tpu.dma_semaphore, #tpu.memory_space<semaphore_mem>>) src(%arg16 : memref<80x64xf32, #tpu.memory_space<vmem>>) dst(%dma_wait3A_187 : memref<10240x64xf32, #tpu.memory_space<vmem_shared>>)
        tpu.yield
      }) : () -> ()
      %lt3A = arith.constant 124 : i32
      %lt3A_155 = arith.cmpi slt, %scan3A_100, %lt3A : i32
      %convert_element_type3A_156 = arith.extui %lt3A_155 : i1 to i32
      %cond3A_157 = arith.constant 0 : i32
      %cond3A_158 = arith.cmpi ne, %convert_element_type3A_156, %cond3A_157 : i32
      scf.if %cond3A_158 {
        %add3A_182 = arith.constant 2 : i32
        %add3A_183 = arith.addi %mul3A_103, %add3A_182 : i32
        %mul3A_184 = arith.constant 20000 : i32
        %mul3A_185 = arith.muli %arg1, %mul3A_184 : i32
        %mul3A_186 = arith.constant 80 : i32
        %mul3A_187 = arith.muli %add3A_183, %mul3A_186 : i32
        %add3A_188 = arith.addi %mul3A_185, %mul3A_187 : i32
        %dma_start3A_189 = tpu.memref_slice %arg2[%add3A_188] : memref<320000xi32, #tpu.memory_space<hbm>> -> memref<80xi32, #tpu.memory_space<hbm>>
        %dma_start3A_190 = tpu.memref_slice %arg2[%add3A_188] : memref<320000xi32, #tpu.memory_space<hbm>> -> memref<80xi32, #tpu.memory_space<hbm>>
        tpu.enqueue_dma source(%dma_start3A_190 : memref<80xi32, #tpu.memory_space<hbm>>) target(%arg8 : memref<80xi32, #tpu.memory_space<vmem>>) target_semaphore(%arg21 : memref<!tpu.dma_semaphore, #tpu.memory_space<semaphore_mem>>)
        %mul3A_191 = arith.constant 20000 : i32
        %mul3A_192 = arith.muli %arg1, %mul3A_191 : i32
        %mul3A_193 = arith.constant 80 : i32
        %mul3A_194 = arith.muli %add3A_183, %mul3A_193 : i32
        %add3A_195 = arith.addi %mul3A_192, %mul3A_194 : i32
        %dma_start3A_196 = tpu.memref_slice %arg3[%add3A_195] : memref<320000xi32, #tpu.memory_space<hbm>> -> memref<80xi32, #tpu.memory_space<hbm>>
        %dma_start3A_197 = tpu.memref_slice %arg3[%add3A_195] : memref<320000xi32, #tpu.memory_space<hbm>> -> memref<80xi32, #tpu.memory_space<hbm>>
        tpu.enqueue_dma source(%dma_start3A_197 : memref<80xi32, #tpu.memory_space<hbm>>) target(%arg10 : memref<80xi32, #tpu.memory_space<vmem>>) target_semaphore(%arg21 : memref<!tpu.dma_semaphore, #tpu.memory_space<semaphore_mem>>)
        %mul3A_198 = arith.constant 20000 : i32
        %mul3A_199 = arith.muli %arg1, %mul3A_198 : i32
        %mul3A_200 = arith.constant 80 : i32
        %mul3A_201 = arith.muli %add3A_183, %mul3A_200 : i32
        %add3A_202 = arith.addi %mul3A_199, %mul3A_201 : i32
        %dma_start3A_203 = arith.constant 0 : i32
        %dma_start3A_204 = tpu.memref_slice %arg4[%add3A_202, %dma_start3A_203] : memref<320000x4xf32, #tpu.memory_space<hbm>> -> memref<80x4xf32, #tpu.memory_space<hbm>>
        %dma_start3A_205 = arith.constant 0 : i32
        %dma_start3A_206 = tpu.memref_slice %arg4[%add3A_202, %dma_start3A_205] : memref<320000x4xf32, #tpu.memory_space<hbm>> -> memref<80x4xf32, #tpu.memory_space<hbm>>
        tpu.enqueue_dma source(%dma_start3A_206 : memref<80x4xf32, #tpu.memory_space<hbm>>) target(%arg14 : memref<80x4xf32, #tpu.memory_space<vmem>>) target_semaphore(%arg21 : memref<!tpu.dma_semaphore, #tpu.memory_space<semaphore_mem>>)
        %add3A_207 = arith.constant 2 : i32
        %add3A_208 = arith.addi %mul3A_103, %add3A_207 : i32
        %mul3A_209 = arith.constant 20000 : i32
        %mul3A_210 = arith.muli %arg1, %mul3A_209 : i32
        %mul3A_211 = arith.constant 80 : i32
        %mul3A_212 = arith.muli %add3A_208, %mul3A_211 : i32
        %add3A_213 = arith.addi %mul3A_210, %mul3A_212 : i32
        %dma_wait3A_214 = tpu.memref_slice %arg2[%add3A_213] : memref<320000xi32, #tpu.memory_space<hbm>> -> memref<80xi32, #tpu.memory_space<hbm>>
        %dma_wait3A_215 = tpu.memref_slice %arg2[%add3A_213] : memref<320000xi32, #tpu.memory_space<hbm>> -> memref<80xi32, #tpu.memory_space<hbm>>
        tpu.wait_dma2 semaphore(%arg21 : memref<!tpu.dma_semaphore, #tpu.memory_space<semaphore_mem>>) src(%dma_wait3A_215 : memref<80xi32, #tpu.memory_space<hbm>>) dst(%arg8 : memref<80xi32, #tpu.memory_space<vmem>>)
        %mul3A_216 = arith.constant 20000 : i32
        %mul3A_217 = arith.muli %arg1, %mul3A_216 : i32
        %mul3A_218 = arith.constant 80 : i32
        %mul3A_219 = arith.muli %add3A_208, %mul3A_218 : i32
        %add3A_220 = arith.addi %mul3A_217, %mul3A_219 : i32
        %dma_wait3A_221 = tpu.memref_slice %arg3[%add3A_220] : memref<320000xi32, #tpu.memory_space<hbm>> -> memref<80xi32, #tpu.memory_space<hbm>>
        %dma_wait3A_222 = tpu.memref_slice %arg3[%add3A_220] : memref<320000xi32, #tpu.memory_space<hbm>> -> memref<80xi32, #tpu.memory_space<hbm>>
        tpu.wait_dma2 semaphore(%arg21 : memref<!tpu.dma_semaphore, #tpu.memory_space<semaphore_mem>>) src(%dma_wait3A_222 : memref<80xi32, #tpu.memory_space<hbm>>) dst(%arg10 : memref<80xi32, #tpu.memory_space<vmem>>)
        %mul3A_223 = arith.constant 20000 : i32
        %mul3A_224 = arith.muli %arg1, %mul3A_223 : i32
        %mul3A_225 = arith.constant 80 : i32
        %mul3A_226 = arith.muli %add3A_208, %mul3A_225 : i32
        %add3A_227 = arith.addi %mul3A_224, %mul3A_226 : i32
        %dma_wait3A_228 = arith.constant 0 : i32
        %dma_wait3A_229 = tpu.memref_slice %arg4[%add3A_227, %dma_wait3A_228] : memref<320000x4xf32, #tpu.memory_space<hbm>> -> memref<80x4xf32, #tpu.memory_space<hbm>>
        %dma_wait3A_230 = arith.constant 0 : i32
        %dma_wait3A_231 = tpu.memref_slice %arg4[%add3A_227, %dma_wait3A_230] : memref<320000x4xf32, #tpu.memory_space<hbm>> -> memref<80x4xf32, #tpu.memory_space<hbm>>
        tpu.wait_dma2 semaphore(%arg21 : memref<!tpu.dma_semaphore, #tpu.memory_space<semaphore_mem>>) src(%dma_wait3A_231 : memref<80x4xf32, #tpu.memory_space<hbm>>) dst(%arg14 : memref<80x4xf32, #tpu.memory_space<vmem>>)
        %scan3A_232 = arith.constant 0 : i32
        %scan3A_233 = arith.constant 0 : i32
        %scan3A_234 = arith.constant 5 : i32
        %scan3A_235 = arith.addi %scan3A_233, %scan3A_234 : i32
        %scan3A_236 = arith.constant 1 : i32
        %scan3A_237 = scf.for %scan3A_242 = %scan3A_233 to %scan3A_235 step %scan3A_236 iter_args(%scan3A_243 = %scan3A_232) -> (i32)  : i32 {
          %mul3A_244 = arith.constant 16 : i32
          %mul3A_245 = arith.muli %scan3A_242, %mul3A_244 : i32
          %iota3A = tpu.iota {dimensions = array<i32: 0>} : vector<16xi32>
          %add3A_246 = vector.broadcast %mul3A_245 : i32 to vector<16xi32>
          %add3A_247 = arith.addi %add3A_246, %iota3A : vector<16xi32>
          %mul3A_248 = arith.constant 16 : i32
          %mul3A_249 = arith.muli %scan3A_242, %mul3A_248 : i32
          %get3A = arith.index_cast %mul3A_249 : i32 to index
          %get3A_250 = tpu.vector_load %arg8[%get3A] {strides = array<i32>} : memref<80xi32, #tpu.memory_space<vmem>>, vector<16xi32>,
          %mul3A_251 = arith.constant 2 : i32
          %mul3A_252 = vector.broadcast %mul3A_251 : i32 to vector<16xi32>
          %mul3A_253 = arith.muli %get3A_250, %mul3A_252 : vector<16xi32>
          %add3A_254 = vector.broadcast %arg0 : i32 to vector<16xi32>
          %add3A_255 = arith.addi %mul3A_253, %add3A_254 : vector<16xi32>
          tpu.vector_store_idx %arg12[%add3A_247], %add3A_255 : memref<80xi32, #tpu.memory_space<vmem>>[vector<16xi32>], vector<16xi32>,
          %scan3A_256 = arith.constant 0 : i32
          scf.yield %scan3A_256 : i32
        }
        %scan3A_238 = arith.constant 5 : i32
        %dma_start3A_239 = arith.constant 0 : i32
        %dma_start3A_240 = arith.constant 0 : i32
        %dma_start3A_241 = tpu.memref_slice %arg5[%dma_start3A_239, %dma_start3A_240] : memref<20000x64xf32, #tpu.memory_space<hbm>> -> memref<20000x64xf32, #tpu.memory_space<hbm>>
        tpu.enqueue_indirect_dma source(%dma_start3A_241 : memref<20000x64xf32, #tpu.memory_space<hbm>>) target(%arg16 : memref<80x64xf32, #tpu.memory_space<vmem>>) offsets(%arg12 : memref<80xi32, #tpu.memory_space<vmem>>) semaphore(%arg22 : memref<!tpu.dma_semaphore, #tpu.memory_space<semaphore_mem>>)
      } else {
      }
      %dma_wait3A_159 = arith.constant 0 : i32
      %dma_wait3A_160 = arith.constant 0 : i32
      %dma_wait3A_161 = tpu.memref_slice %arg5[%dma_wait3A_159, %dma_wait3A_160] : memref<20000x64xf32, #tpu.memory_space<hbm>> -> memref<20000x64xf32, #tpu.memory_space<hbm>>
      tpu.wait_indirect_dma semaphore(%arg22 : memref<!tpu.dma_semaphore, #tpu.memory_space<semaphore_mem>>) src(%dma_wait3A_161 : memref<20000x64xf32, #tpu.memory_space<hbm>>) dst(%arg17 : memref<80x64xf32, #tpu.memory_space<vmem>>)
      %scan3A_162 = arith.constant 0 : i32
      %scan3A_163 = arith.constant 0 : i32
      %scan3A_164 = arith.constant 5 : i32
      %scan3A_165 = arith.addi %scan3A_163, %scan3A_164 : i32
      %scan3A_166 = arith.constant 1 : i32
      %scan3A_167 = scf.for %scan3A_182 = %scan3A_163 to %scan3A_165 step %scan3A_166 iter_args(%scan3A_183 = %scan3A_162) -> (i32)  : i32 {
        %mul3A_184 = arith.constant 16 : i32
        %mul3A_185 = arith.muli %scan3A_182, %mul3A_184 : i32
        %iota3A = tpu.iota {dimensions = array<i32: 0>} : vector<16xi32>
        %add3A_186 = vector.broadcast %mul3A_185 : i32 to vector<16xi32>
        %add3A_187 = arith.addi %add3A_186, %iota3A : vector<16xi32>
        %broadcast_in_dim3A = arith.constant 0 : i32
        %broadcast_in_dim3A_188 = vector.broadcast %broadcast_in_dim3A : i32 to vector<16xi32>
        %mul3A_189 = arith.constant 2 : i32
        %mul3A_190 = arith.muli %mul3A_189, %arg0 : i32
        %add3A_191 = arith.constant 0 : i32
        %add3A_192 = arith.addi %mul3A_190, %add3A_191 : i32
        %add3A_193 = vector.broadcast %add3A_192 : i32 to vector<16xi32>
        %add3A_194 = arith.addi %broadcast_in_dim3A_188, %add3A_193 : vector<16xi32>
        %gather3A = tpu.vector_load_idx %arg15[%add3A_187, %add3A_194] : memref<80x4xf32, #tpu.memory_space<vmem>>[vector<16xi32>, vector<16xi32>], vector<16xf32>,
        %mul3A_195 = arith.constant 2 : i32
        %mul3A_196 = vector.broadcast %mul3A_195 : i32 to vector<16xi32>
        %mul3A_197 = arith.muli %add3A_187, %mul3A_196 : vector<16xi32>
        %add3A_198 = arith.constant 0 : i32
        %add3A_199 = vector.broadcast %add3A_198 : i32 to vector<16xi32>
        %add3A_200 = arith.addi %mul3A_197, %add3A_199 : vector<16xi32>
        tpu.vector_store_idx %arg18[%add3A_200], %gather3A : memref<160xf32, #tpu.memory_space<vmem>>[vector<16xi32>], vector<16xf32>,
        %broadcast_in_dim3A_201 = arith.constant 0 : i32
        %broadcast_in_dim3A_202 = vector.broadcast %broadcast_in_dim3A_201 : i32 to vector<16xi32>
        %mul3A_203 = arith.constant 2 : i32
        %mul3A_204 = arith.muli %mul3A_203, %arg0 : i32
        %add3A_205 = arith.constant 1 : i32
        %add3A_206 = arith.addi %mul3A_204, %add3A_205 : i32
        %add3A_207 = vector.broadcast %add3A_206 : i32 to vector<16xi32>
        %add3A_208 = arith.addi %broadcast_in_dim3A_202, %add3A_207 : vector<16xi32>
        %gather3A_209 = tpu.vector_load_idx %arg15[%add3A_187, %add3A_208] : memref<80x4xf32, #tpu.memory_space<vmem>>[vector<16xi32>, vector<16xi32>], vector<16xf32>,
        %mul3A_210 = arith.constant 2 : i32
        %mul3A_211 = vector.broadcast %mul3A_210 : i32 to vector<16xi32>
        %mul3A_212 = arith.muli %add3A_187, %mul3A_211 : vector<16xi32>
        %add3A_213 = arith.constant 1 : i32
        %add3A_214 = vector.broadcast %add3A_213 : i32 to vector<16xi32>
        %add3A_215 = arith.addi %mul3A_212, %add3A_214 : vector<16xi32>
        tpu.vector_store_idx %arg18[%add3A_215], %gather3A_209 : memref<160xf32, #tpu.memory_space<vmem>>[vector<16xi32>], vector<16xf32>,
        %scan3A_216 = arith.constant 0 : i32
        scf.yield %scan3A_216 : i32
      }
      %scan3A_168 = arith.constant 5 : i32
      %scan3A_169 = arith.constant 0 : i32
      %scan3A_170 = arith.constant 0 : i32
      %scan3A_171 = arith.constant 80 : i32
      %scan3A_172 = arith.addi %scan3A_170, %scan3A_171 : i32
      %scan3A_173 = arith.constant 1 : i32
      %scan3A_174 = scf.for %scan3A_182 = %scan3A_170 to %scan3A_172 step %scan3A_173 iter_args(%scan3A_183 = %scan3A_169) -> (i32)  : i32 {
        %broadcast_in_dim3A = arith.constant 0 : i32
        %broadcast_in_dim3A_184 = vector.broadcast %broadcast_in_dim3A : i32 to vector<16xi32>
        %mul3A_185 = arith.constant 2 : i32
        %mul3A_186 = arith.muli %scan3A_182, %mul3A_185 : i32
        %add3A_187 = arith.constant 0 : i32
        %add3A_188 = arith.addi %mul3A_186, %add3A_187 : i32
        %add3A_189 = vector.broadcast %add3A_188 : i32 to vector<16xi32>
        %add3A_190 = arith.addi %broadcast_in_dim3A_184, %add3A_189 : vector<16xi32>
        %gather3A = tpu.vector_load_idx %arg18[%add3A_190] : memref<160xf32, #tpu.memory_space<vmem>>[vector<16xi32>], vector<16xf32>,
        %get3A = arith.index_cast %scan3A_182 : i32 to index
        %get3A_191 = arith.constant 0 : index
        %get3A_192 = tpu.vector_load %arg17[%get3A, %get3A_191] {strides = array<i32>} : memref<80x64xf32, #tpu.memory_space<vmem>>, vector<16xf32>,
        %mul3A_193 = arith.mulf %get3A_192, %gather3A : vector<16xf32>
        %swap3A = arith.index_cast %scan3A_182 : i32 to index
        %swap3A_194 = arith.constant 0 : index
        %swap3A_195 = tpu.vector_load %arg17[%swap3A, %swap3A_194] {strides = array<i32>} : memref<80x64xf32, #tpu.memory_space<vmem>>, vector<16xf32>,
        tpu.vector_store %arg17[%swap3A, %swap3A_194], %mul3A_193 {strides = array<i32>} : memref<80x64xf32, #tpu.memory_space<vmem>>, vector<16xf32>,
        %get3A_196 = arith.index_cast %scan3A_182 : i32 to index
        %get3A_197 = arith.constant 16 : index
        %get3A_198 = tpu.vector_load %arg17[%get3A_196, %get3A_197] {strides = array<i32>} : memref<80x64xf32, #tpu.memory_space<vmem>>, vector<16xf32>,
        %mul3A_199 = arith.mulf %get3A_198, %gather3A : vector<16xf32>
        %swap3A_200 = arith.index_cast %scan3A_182 : i32 to index
        %swap3A_201 = arith.constant 16 : index
        %swap3A_202 = tpu.vector_load %arg17[%swap3A_200, %swap3A_201] {strides = array<i32>} : memref<80x64xf32, #tpu.memory_space<vmem>>, vector<16xf32>,
        tpu.vector_store %arg17[%swap3A_200, %swap3A_201], %mul3A_199 {strides = array<i32>} : memref<80x64xf32, #tpu.memory_space<vmem>>, vector<16xf32>,
        %broadcast_in_dim3A_203 = arith.constant 0 : i32
        %broadcast_in_dim3A_204 = vector.broadcast %broadcast_in_dim3A_203 : i32 to vector<16xi32>
        %mul3A_205 = arith.constant 2 : i32
        %mul3A_206 = arith.muli %scan3A_182, %mul3A_205 : i32
        %add3A_207 = arith.constant 1 : i32
        %add3A_208 = arith.addi %mul3A_206, %add3A_207 : i32
        %add3A_209 = vector.broadcast %add3A_208 : i32 to vector<16xi32>
        %add3A_210 = arith.addi %broadcast_in_dim3A_204, %add3A_209 : vector<16xi32>
        %gather3A_211 = tpu.vector_load_idx %arg18[%add3A_210] : memref<160xf32, #tpu.memory_space<vmem>>[vector<16xi32>], vector<16xf32>,
        %get3A_212 = arith.index_cast %scan3A_182 : i32 to index
        %get3A_213 = arith.constant 32 : index
        %get3A_214 = tpu.vector_load %arg17[%get3A_212, %get3A_213] {strides = array<i32>} : memref<80x64xf32, #tpu.memory_space<vmem>>, vector<16xf32>,
        %mul3A_215 = arith.mulf %get3A_214, %gather3A_211 : vector<16xf32>
        %swap3A_216 = arith.index_cast %scan3A_182 : i32 to index
        %swap3A_217 = arith.constant 32 : index
        %swap3A_218 = tpu.vector_load %arg17[%swap3A_216, %swap3A_217] {strides = array<i32>} : memref<80x64xf32, #tpu.memory_space<vmem>>, vector<16xf32>,
        tpu.vector_store %arg17[%swap3A_216, %swap3A_217], %mul3A_215 {strides = array<i32>} : memref<80x64xf32, #tpu.memory_space<vmem>>, vector<16xf32>,
        %get3A_219 = arith.index_cast %scan3A_182 : i32 to index
        %get3A_220 = arith.constant 48 : index
        %get3A_221 = tpu.vector_load %arg17[%get3A_219, %get3A_220] {strides = array<i32>} : memref<80x64xf32, #tpu.memory_space<vmem>>, vector<16xf32>,
        %mul3A_222 = arith.mulf %get3A_221, %gather3A_211 : vector<16xf32>
        %swap3A_223 = arith.index_cast %scan3A_182 : i32 to index
        %swap3A_224 = arith.constant 48 : index
        %swap3A_225 = tpu.vector_load %arg17[%swap3A_223, %swap3A_224] {strides = array<i32>} : memref<80x64xf32, #tpu.memory_space<vmem>>, vector<16xf32>,
        tpu.vector_store %arg17[%swap3A_223, %swap3A_224], %mul3A_222 {strides = array<i32>} : memref<80x64xf32, #tpu.memory_space<vmem>>, vector<16xf32>,
        %scan3A_226 = arith.constant 0 : i32
        scf.yield %scan3A_226 : i32
      }
      %scan3A_175 = arith.constant 80 : i32
      "tpu.region"() ({
        %run_scoped3A = tpu.sem_alloc : memref<!tpu.dma_semaphore, #tpu.memory_space<semaphore_mem>>
        %dma_start3A_182 = arith.constant 0 : i32
        %dma_start3A_183 = arith.constant 0 : i32
        %dma_start3A_184 = tpu.memref_slice %arg20[%dma_start3A_182, %dma_start3A_183] : memref<10240x64xf32, #tpu.memory_space<vmem_shared>> -> memref<10240x64xf32, #tpu.memory_space<vmem_shared>>
        tpu.enqueue_indirect_dma source(%arg17 : memref<80x64xf32, #tpu.memory_space<vmem>>) target(%dma_start3A_184 : memref<10240x64xf32, #tpu.memory_space<vmem_shared>>) offsets(%arg11 : memref<80xi32, #tpu.memory_space<vmem>>) semaphore(%run_scoped3A : memref<!tpu.dma_semaphore, #tpu.memory_space<semaphore_mem>>) {add = true}
        %dma_wait3A_185 = arith.constant 0 : i32
        %dma_wait3A_186 = arith.constant 0 : i32
        %dma_wait3A_187 = tpu.memref_slice %arg20[%dma_wait3A_185, %dma_wait3A_186] : memref<10240x64xf32, #tpu.memory_space<vmem_shared>> -> memref<10240x64xf32, #tpu.memory_space<vmem_shared>>
        tpu.wait_indirect_dma semaphore(%run_scoped3A : memref<!tpu.dma_semaphore, #tpu.memory_space<semaphore_mem>>) src(%arg17 : memref<80x64xf32, #tpu.memory_space<vmem>>) dst(%dma_wait3A_187 : memref<10240x64xf32, #tpu.memory_space<vmem_shared>>)
        tpu.yield
      }) : () -> ()
      %lt3A_176 = arith.constant 124 : i32
      %lt3A_177 = arith.cmpi slt, %scan3A_100, %lt3A_176 : i32
      %convert_element_type3A_178 = arith.extui %lt3A_177 : i1 to i32
      %cond3A_179 = arith.constant 0 : i32
      %cond3A_180 = arith.cmpi ne, %convert_element_type3A_178, %cond3A_179 : i32
      scf.if %cond3A_180 {
        %add3A_182 = arith.constant 3 : i32
        %add3A_183 = arith.addi %mul3A_103, %add3A_182 : i32
        %mul3A_184 = arith.constant 20000 : i32
        %mul3A_185 = arith.muli %arg1, %mul3A_184 : i32
        %mul3A_186 = arith.constant 80 : i32
        %mul3A_187 = arith.muli %add3A_183, %mul3A_186 : i32
        %add3A_188 = arith.addi %mul3A_185, %mul3A_187 : i32
        %dma_start3A_189 = tpu.memref_slice %arg2[%add3A_188] : memref<320000xi32, #tpu.memory_space<hbm>> -> memref<80xi32, #tpu.memory_space<hbm>>
        %dma_start3A_190 = tpu.memref_slice %arg2[%add3A_188] : memref<320000xi32, #tpu.memory_space<hbm>> -> memref<80xi32, #tpu.memory_space<hbm>>
        tpu.enqueue_dma source(%dma_start3A_190 : memref<80xi32, #tpu.memory_space<hbm>>) target(%arg9 : memref<80xi32, #tpu.memory_space<vmem>>) target_semaphore(%arg21 : memref<!tpu.dma_semaphore, #tpu.memory_space<semaphore_mem>>)
        %mul3A_191 = arith.constant 20000 : i32
        %mul3A_192 = arith.muli %arg1, %mul3A_191 : i32
        %mul3A_193 = arith.constant 80 : i32
        %mul3A_194 = arith.muli %add3A_183, %mul3A_193 : i32
        %add3A_195 = arith.addi %mul3A_192, %mul3A_194 : i32
        %dma_start3A_196 = tpu.memref_slice %arg3[%add3A_195] : memref<320000xi32, #tpu.memory_space<hbm>> -> memref<80xi32, #tpu.memory_space<hbm>>
        %dma_start3A_197 = tpu.memref_slice %arg3[%add3A_195] : memref<320000xi32, #tpu.memory_space<hbm>> -> memref<80xi32, #tpu.memory_space<hbm>>
        tpu.enqueue_dma source(%dma_start3A_197 : memref<80xi32, #tpu.memory_space<hbm>>) target(%arg11 : memref<80xi32, #tpu.memory_space<vmem>>) target_semaphore(%arg21 : memref<!tpu.dma_semaphore, #tpu.memory_space<semaphore_mem>>)
        %mul3A_198 = arith.constant 20000 : i32
        %mul3A_199 = arith.muli %arg1, %mul3A_198 : i32
        %mul3A_200 = arith.constant 80 : i32
        %mul3A_201 = arith.muli %add3A_183, %mul3A_200 : i32
        %add3A_202 = arith.addi %mul3A_199, %mul3A_201 : i32
        %dma_start3A_203 = arith.constant 0 : i32
        %dma_start3A_204 = tpu.memref_slice %arg4[%add3A_202, %dma_start3A_203] : memref<320000x4xf32, #tpu.memory_space<hbm>> -> memref<80x4xf32, #tpu.memory_space<hbm>>
        %dma_start3A_205 = arith.constant 0 : i32
        %dma_start3A_206 = tpu.memref_slice %arg4[%add3A_202, %dma_start3A_205] : memref<320000x4xf32, #tpu.memory_space<hbm>> -> memref<80x4xf32, #tpu.memory_space<hbm>>
        tpu.enqueue_dma source(%dma_start3A_206 : memref<80x4xf32, #tpu.memory_space<hbm>>) target(%arg15 : memref<80x4xf32, #tpu.memory_space<vmem>>) target_semaphore(%arg21 : memref<!tpu.dma_semaphore, #tpu.memory_space<semaphore_mem>>)
      } else {
      }
      %scan3A_181 = arith.constant 0 : i32
      scf.yield %scan3A_181 : i32
    }
    %scan3A_91 = arith.constant 125 : i32
    %barrier3A_92 = arith.constant 0 : index
    tpu.barrier barrier_id(%barrier3A_92)
    %eq3A = arith.constant 0 : i32
    %eq3A_93 = arith.cmpi eq, %arg0, %eq3A : i32
    %convert_element_type3A = arith.extui %eq3A_93 : i1 to i32
    %cond3A = arith.constant 0 : i32
    %cond3A_94 = arith.cmpi ne, %convert_element_type3A, %cond3A : i32
    scf.if %cond3A_94 {
      %mul3A_100 = arith.constant 640 : i32
      %mul3A_101 = arith.muli %arg1, %mul3A_100 : i32
      %mul3A_102 = arith.constant 640 : i32
      %mul3A_103 = arith.muli %arg1, %mul3A_102 : i32
      "tpu.region"() ({
        %run_scoped3A = tpu.sem_alloc : memref<!tpu.dma_semaphore, #tpu.memory_space<semaphore_mem>>
        %dma_start3A_104 = arith.constant 0 : i32
        %dma_start3A_105 = tpu.memref_slice %arg6[%mul3A_103, %dma_start3A_104] : memref<10240x64xf32, #tpu.memory_space<hbm>> -> memref<640x64xf32, #tpu.memory_space<hbm>>
        %dma_start3A_106 = arith.constant 0 : i32
        %dma_start3A_107 = tpu.memref_slice %arg20[%mul3A_101, %dma_start3A_106] : memref<10240x64xf32, #tpu.memory_space<vmem_shared>> -> memref<640x64xf32, #tpu.memory_space<vmem_shared>>
        tpu.enqueue_dma source(%dma_start3A_107 : memref<640x64xf32, #tpu.memory_space<vmem_shared>>) target(%dma_start3A_105 : memref<640x64xf32, #tpu.memory_space<hbm>>) target_semaphore(%run_scoped3A : memref<!tpu.dma_semaphore, #tpu.memory_space<semaphore_mem>>)
        %dma_wait3A = arith.constant 0 : i32
        %dma_wait3A_108 = tpu.memref_slice %arg6[%mul3A_103, %dma_wait3A] : memref<10240x64xf32, #tpu.memory_space<hbm>> -> memref<640x64xf32, #tpu.memory_space<hbm>>
        %dma_wait3A_109 = arith.constant 0 : i32
        %dma_wait3A_110 = tpu.memref_slice %arg20[%mul3A_101, %dma_wait3A_109] : memref<10240x64xf32, #tpu.memory_space<vmem_shared>> -> memref<640x64xf32, #tpu.memory_space<vmem_shared>>
        tpu.wait_dma2 semaphore(%run_scoped3A : memref<!tpu.dma_semaphore, #tpu.memory_space<semaphore_mem>>) src(%dma_wait3A_110 : memref<640x64xf32, #tpu.memory_space<vmem_shared>>) dst(%dma_wait3A_108 : memref<640x64xf32, #tpu.memory_space<hbm>>)
        tpu.yield
      }) : () -> ()
    } else {
    }
    %eq3A_95 = arith.constant 1 : i32
    %eq3A_96 = arith.cmpi eq, %arg0, %eq3A_95 : i32
    %convert_element_type3A_97 = arith.extui %eq3A_96 : i1 to i32
    %cond3A_98 = arith.constant 0 : i32
    %cond3A_99 = arith.cmpi ne, %convert_element_type3A_97, %cond3A_98 : i32
    scf.if %cond3A_99 {
      %mul3A_100 = arith.constant 640 : i32
      %mul3A_101 = arith.muli %arg1, %mul3A_100 : i32
      %mul3A_102 = arith.constant 640 : i32
      %mul3A_103 = arith.muli %arg1, %mul3A_102 : i32
      "tpu.region"() ({
        %run_scoped3A = tpu.sem_alloc : memref<!tpu.dma_semaphore, #tpu.memory_space<semaphore_mem>>
        %dma_start3A_104 = arith.constant 0 : i32
        %dma_start3A_105 = tpu.memref_slice %arg7[%mul3A_103, %dma_start3A_104] : memref<10240x64xf32, #tpu.memory_space<hbm>> -> memref<640x64xf32, #tpu.memory_space<hbm>>
        %dma_start3A_106 = arith.constant 0 : i32
        %dma_start3A_107 = tpu.memref_slice %arg20[%mul3A_101, %dma_start3A_106] : memref<10240x64xf32, #tpu.memory_space<vmem_shared>> -> memref<640x64xf32, #tpu.memory_space<vmem_shared>>
        tpu.enqueue_dma source(%dma_start3A_107 : memref<640x64xf32, #tpu.memory_space<vmem_shared>>) target(%dma_start3A_105 : memref<640x64xf32, #tpu.memory_space<hbm>>) target_semaphore(%run_scoped3A : memref<!tpu.dma_semaphore, #tpu.memory_space<semaphore_mem>>)
        %dma_wait3A = arith.constant 0 : i32
        %dma_wait3A_108 = tpu.memref_slice %arg7[%mul3A_103, %dma_wait3A] : memref<10240x64xf32, #tpu.memory_space<hbm>> -> memref<640x64xf32, #tpu.memory_space<hbm>>
        %dma_wait3A_109 = arith.constant 0 : i32
        %dma_wait3A_110 = tpu.memref_slice %arg20[%mul3A_101, %dma_wait3A_109] : memref<10240x64xf32, #tpu.memory_space<vmem_shared>> -> memref<640x64xf32, #tpu.memory_space<vmem_shared>>
        tpu.wait_dma2 semaphore(%run_scoped3A : memref<!tpu.dma_semaphore, #tpu.memory_space<semaphore_mem>>) src(%dma_wait3A_110 : memref<640x64xf32, #tpu.memory_space<vmem_shared>>) dst(%dma_wait3A_108 : memref<640x64xf32, #tpu.memory_space<hbm>>)
        tpu.yield
      }) : () -> ()
    } else {
    }
    return
  }
}

#map = affine_map<(d0, d1) -> (0)>
#map1 = affine_map<(d0, d1) -> (0, 0)>
module attributes {stable_mosaic.version = 14 : i64} {
  func.func @_sc1_body(%arg0: i32, %arg1: i32, %arg2: memref<320000xi32, #tpu.memory_space<hbm>>, %arg3: memref<320000xi32, #tpu.memory_space<hbm>>, %arg4: memref<80000xf32, #tpu.memory_space<hbm>>, %arg5: memref<320000x4xf32, #tpu.memory_space<hbm>>, %arg6: memref<10240x16xf32, #tpu.memory_space<hbm>>, %arg7: memref<10240x16xf32, #tpu.memory_space<hbm>>, %arg8: memref<80000xf32, #tpu.memory_space<vmem>>, %arg9: memref<80xi32, #tpu.memory_space<vmem>>, %arg10: memref<80xi32, #tpu.memory_space<vmem>>, %arg11: memref<80x4xf32, #tpu.memory_space<vmem>>, %arg12: memref<80x16xf32, #tpu.memory_space<vmem>>, %arg13: memref<640x16xf32, #tpu.memory_space<vmem>>, %arg14: memref<10240x16xf32, #tpu.memory_space<vmem_shared>>) attributes {dimension_semantics = [#tpu.dimension_semantics<core_parallel>, #tpu.dimension_semantics<subcore_parallel>], iteration_bounds = array<i64: 2, 16>, scalar_prefetch = 0 : i64, scratch_operands = 7 : i64, tpu.core_type = #tpu.core_type<sc_vector_subcore>, window_params = [{transform_indices = #map}, {transform_indices = #map}, {transform_indices = #map}, {transform_indices = #map1}, {transform_indices = #map1}, {transform_indices = #map1}]} {
    %mul3A = arith.constant 2 : i32
    %mul3A_0 = arith.muli %arg1, %mul3A : i32
    %add3A = arith.addi %mul3A_0, %arg0 : i32
    %scan3A = arith.constant 0 : i32
    %scan3A_1 = arith.constant 0 : i32
    %scan3A_2 = arith.constant 640 : i32
    %scan3A_3 = arith.addi %scan3A_1, %scan3A_2 : i32
    %scan3A_4 = arith.constant 1 : i32
    %scan3A_5 = scf.for %scan3A_31 = %scan3A_1 to %scan3A_3 step %scan3A_4 iter_args(%scan3A_32 = %scan3A) -> (i32)  : i32 {
      %broadcast_in_dim3A = arith.constant 0.000000e+00 : f32
      %broadcast_in_dim3A_33 = vector.broadcast %broadcast_in_dim3A : f32 to vector<16xf32>
      %swap3A = arith.index_cast %scan3A_31 : i32 to index
      %swap3A_34 = arith.constant 0 : index
      %swap3A_35 = tpu.vector_load %arg13[%swap3A, %swap3A_34] {strides = array<i32>} : memref<640x16xf32, #tpu.memory_space<vmem>>, vector<16xf32>,
      tpu.vector_store %arg13[%swap3A, %swap3A_34], %broadcast_in_dim3A_33 {strides = array<i32>} : memref<640x16xf32, #tpu.memory_space<vmem>>, vector<16xf32>,
      %scan3A_36 = arith.constant 0 : i32
      scf.yield %scan3A_36 : i32
    }
    %scan3A_6 = arith.constant 640 : i32
    %mul3A_7 = arith.constant 640 : i32
    %mul3A_8 = arith.muli %arg1, %mul3A_7 : i32
    "tpu.region"() ({
      %run_scoped3A = tpu.sem_alloc : memref<!tpu.dma_semaphore, #tpu.memory_space<semaphore_mem>>
      %dma_start3A = arith.constant 0 : i32
      %dma_start3A_31 = tpu.memref_slice %arg14[%mul3A_8, %dma_start3A] : memref<10240x16xf32, #tpu.memory_space<vmem_shared>> -> memref<640x16xf32, #tpu.memory_space<vmem_shared>>
      %dma_start3A_32 = arith.constant 0 : i32
      %dma_start3A_33 = tpu.memref_slice %arg14[%mul3A_8, %dma_start3A_32] : memref<10240x16xf32, #tpu.memory_space<vmem_shared>> -> memref<640x16xf32, #tpu.memory_space<vmem_shared>>
      tpu.enqueue_dma source(%arg13 : memref<640x16xf32, #tpu.memory_space<vmem>>) target(%dma_start3A_33 : memref<640x16xf32, #tpu.memory_space<vmem_shared>>) target_semaphore(%run_scoped3A : memref<!tpu.dma_semaphore, #tpu.memory_space<semaphore_mem>>)
      %dma_wait3A = arith.constant 0 : i32
      %dma_wait3A_34 = tpu.memref_slice %arg14[%mul3A_8, %dma_wait3A] : memref<10240x16xf32, #tpu.memory_space<vmem_shared>> -> memref<640x16xf32, #tpu.memory_space<vmem_shared>>
      %dma_wait3A_35 = arith.constant 0 : i32
      %dma_wait3A_36 = tpu.memref_slice %arg14[%mul3A_8, %dma_wait3A_35] : memref<10240x16xf32, #tpu.memory_space<vmem_shared>> -> memref<640x16xf32, #tpu.memory_space<vmem_shared>>
      tpu.wait_dma2 semaphore(%run_scoped3A : memref<!tpu.dma_semaphore, #tpu.memory_space<semaphore_mem>>) src(%arg13 : memref<640x16xf32, #tpu.memory_space<vmem>>) dst(%dma_wait3A_36 : memref<640x16xf32, #tpu.memory_space<vmem_shared>>)
      tpu.yield
    }) : () -> ()
    %scan3A_9 = arith.constant 0 : i32
    %scan3A_10 = arith.constant 0 : i32
    %scan3A_11 = arith.constant 80 : i32
    %scan3A_12 = arith.addi %scan3A_10, %scan3A_11 : i32
    %scan3A_13 = arith.constant 1 : i32
    %scan3A_14 = scf.for %scan3A_31 = %scan3A_10 to %scan3A_12 step %scan3A_13 iter_args(%scan3A_32 = %scan3A_9) -> (i32)  : i32 {
      %broadcast_in_dim3A = arith.constant 0.000000e+00 : f32
      %broadcast_in_dim3A_33 = vector.broadcast %broadcast_in_dim3A : f32 to vector<16xf32>
      %swap3A = arith.index_cast %scan3A_31 : i32 to index
      %swap3A_34 = arith.constant 0 : index
      %swap3A_35 = tpu.vector_load %arg12[%swap3A, %swap3A_34] {strides = array<i32>} : memref<80x16xf32, #tpu.memory_space<vmem>>, vector<16xf32>,
      tpu.vector_store %arg12[%swap3A, %swap3A_34], %broadcast_in_dim3A_33 {strides = array<i32>} : memref<80x16xf32, #tpu.memory_space<vmem>>, vector<16xf32>,
      %scan3A_36 = arith.constant 0 : i32
      scf.yield %scan3A_36 : i32
    }
    %scan3A_15 = arith.constant 80 : i32
    "tpu.region"() ({
      %run_scoped3A = tpu.sem_alloc : memref<!tpu.dma_semaphore, #tpu.memory_space<semaphore_mem>>
      tpu.enqueue_dma source(%arg4 : memref<80000xf32, #tpu.memory_space<hbm>>) target(%arg8 : memref<80000xf32, #tpu.memory_space<vmem>>) target_semaphore(%run_scoped3A : memref<!tpu.dma_semaphore, #tpu.memory_space<semaphore_mem>>)
      tpu.wait_dma2 semaphore(%run_scoped3A : memref<!tpu.dma_semaphore, #tpu.memory_space<semaphore_mem>>) src(%arg4 : memref<80000xf32, #tpu.memory_space<hbm>>) dst(%arg8 : memref<80000xf32, #tpu.memory_space<vmem>>)
      tpu.yield
    }) : () -> ()
    %barrier3A = arith.constant 0 : index
    tpu.barrier barrier_id(%barrier3A)
    %scan3A_16 = arith.constant 0 : i32
    %scan3A_17 = arith.constant 0 : i32
    %scan3A_18 = arith.constant 125 : i32
    %scan3A_19 = arith.addi %scan3A_17, %scan3A_18 : i32
    %scan3A_20 = arith.constant 1 : i32
    %scan3A_21 = scf.for %scan3A_31 = %scan3A_17 to %scan3A_19 step %scan3A_20 iter_args(%scan3A_32 = %scan3A_16) -> (i32)  : i32 {
      %mul3A_33 = arith.constant 10000 : i32
      %mul3A_34 = arith.muli %add3A, %mul3A_33 : i32
      %mul3A_35 = arith.constant 80 : i32
      %mul3A_36 = arith.muli %scan3A_31, %mul3A_35 : i32
      %add3A_37 = arith.addi %mul3A_34, %mul3A_36 : i32
      "tpu.region"() ({
        %run_scoped3A = tpu.sem_alloc : memref<!tpu.dma_semaphore, #tpu.memory_space<semaphore_mem>>
        %dma_start3A = tpu.memref_slice %arg2[%add3A_37] : memref<320000xi32, #tpu.memory_space<hbm>> -> memref<80xi32, #tpu.memory_space<hbm>>
        %dma_start3A_46 = tpu.memref_slice %arg2[%add3A_37] : memref<320000xi32, #tpu.memory_space<hbm>> -> memref<80xi32, #tpu.memory_space<hbm>>
        tpu.enqueue_dma source(%dma_start3A_46 : memref<80xi32, #tpu.memory_space<hbm>>) target(%arg9 : memref<80xi32, #tpu.memory_space<vmem>>) target_semaphore(%run_scoped3A : memref<!tpu.dma_semaphore, #tpu.memory_space<semaphore_mem>>)
        %dma_wait3A = tpu.memref_slice %arg2[%add3A_37] : memref<320000xi32, #tpu.memory_space<hbm>> -> memref<80xi32, #tpu.memory_space<hbm>>
        %dma_wait3A_47 = tpu.memref_slice %arg2[%add3A_37] : memref<320000xi32, #tpu.memory_space<hbm>> -> memref<80xi32, #tpu.memory_space<hbm>>
        tpu.wait_dma2 semaphore(%run_scoped3A : memref<!tpu.dma_semaphore, #tpu.memory_space<semaphore_mem>>) src(%dma_wait3A_47 : memref<80xi32, #tpu.memory_space<hbm>>) dst(%arg9 : memref<80xi32, #tpu.memory_space<vmem>>)
        tpu.yield
      }) : () -> ()
      "tpu.region"() ({
        %run_scoped3A = tpu.sem_alloc : memref<!tpu.dma_semaphore, #tpu.memory_space<semaphore_mem>>
        %dma_start3A = tpu.memref_slice %arg3[%add3A_37] : memref<320000xi32, #tpu.memory_space<hbm>> -> memref<80xi32, #tpu.memory_space<hbm>>
        %dma_start3A_46 = tpu.memref_slice %arg3[%add3A_37] : memref<320000xi32, #tpu.memory_space<hbm>> -> memref<80xi32, #tpu.memory_space<hbm>>
        tpu.enqueue_dma source(%dma_start3A_46 : memref<80xi32, #tpu.memory_space<hbm>>) target(%arg10 : memref<80xi32, #tpu.memory_space<vmem>>) target_semaphore(%run_scoped3A : memref<!tpu.dma_semaphore, #tpu.memory_space<semaphore_mem>>)
        %dma_wait3A = tpu.memref_slice %arg3[%add3A_37] : memref<320000xi32, #tpu.memory_space<hbm>> -> memref<80xi32, #tpu.memory_space<hbm>>
        %dma_wait3A_47 = tpu.memref_slice %arg3[%add3A_37] : memref<320000xi32, #tpu.memory_space<hbm>> -> memref<80xi32, #tpu.memory_space<hbm>>
        tpu.wait_dma2 semaphore(%run_scoped3A : memref<!tpu.dma_semaphore, #tpu.memory_space<semaphore_mem>>) src(%dma_wait3A_47 : memref<80xi32, #tpu.memory_space<hbm>>) dst(%arg10 : memref<80xi32, #tpu.memory_space<vmem>>)
        tpu.yield
      }) : () -> ()
      %scan3A_38 = arith.constant 0 : i32
      %scan3A_39 = arith.constant 0 : i32
      %scan3A_40 = arith.constant 5 : i32
      %scan3A_41 = arith.addi %scan3A_39, %scan3A_40 : i32
      %scan3A_42 = arith.constant 1 : i32
      %scan3A_43 = scf.for %scan3A_46 = %scan3A_39 to %scan3A_41 step %scan3A_42 iter_args(%scan3A_47 = %scan3A_38) -> (i32)  : i32 {
        %mul3A_48 = arith.constant 16 : i32
        %mul3A_49 = arith.muli %scan3A_46, %mul3A_48 : i32
        %iota3A = tpu.iota {dimensions = array<i32: 0>} : vector<16xi32>
        %add3A_50 = vector.broadcast %mul3A_49 : i32 to vector<16xi32>
        %add3A_51 = arith.addi %add3A_50, %iota3A : vector<16xi32>
        %mul3A_52 = arith.constant 16 : i32
        %mul3A_53 = arith.muli %scan3A_46, %mul3A_52 : i32
        %get3A = arith.index_cast %mul3A_53 : i32 to index
        %get3A_54 = tpu.vector_load %arg9[%get3A] {strides = array<i32>} : memref<80xi32, #tpu.memory_space<vmem>>, vector<16xi32>,
        %mul3A_55 = arith.constant 16 : i32
        %mul3A_56 = arith.muli %scan3A_46, %mul3A_55 : i32
        %get3A_57 = arith.index_cast %mul3A_56 : i32 to index
        %get3A_58 = tpu.vector_load %arg10[%get3A_57] {strides = array<i32>} : memref<80xi32, #tpu.memory_space<vmem>>, vector<16xi32>,
        %add3A_59 = arith.constant 0 : i32
        %add3A_60 = vector.broadcast %add3A_59 : i32 to vector<16xi32>
        %add3A_61 = arith.addi %get3A_54, %add3A_60 : vector<16xi32>
        %gather3A = tpu.vector_load_idx %arg8[%add3A_61] : memref<80000xf32, #tpu.memory_space<vmem>>[vector<16xi32>], vector<16xf32>,
        %add3A_62 = arith.constant 40000 : i32
        %add3A_63 = vector.broadcast %add3A_62 : i32 to vector<16xi32>
        %add3A_64 = arith.addi %get3A_58, %add3A_63 : vector<16xi32>
        %gather3A_65 = tpu.vector_load_idx %arg8[%add3A_64] : memref<80000xf32, #tpu.memory_space<vmem>>[vector<16xi32>], vector<16xf32>,
        %add3A_66 = arith.addf %gather3A, %gather3A_65 : vector<16xf32>
        %mul3A_67 = arith.constant 2.000000e-01 : f32
        %mul3A_68 = vector.broadcast %mul3A_67 : f32 to vector<16xf32>
        %mul3A_69 = arith.mulf %mul3A_68, %add3A_66 : vector<16xf32>
        %max3A = arith.maximumf %add3A_66, %mul3A_69 : vector<16xf32>
        %exp3A = math.exp %max3A : vector<16xf32>
        %broadcast_in_dim3A = arith.constant 0 : i32
        %broadcast_in_dim3A_70 = vector.broadcast %broadcast_in_dim3A : i32 to vector<16xi32>
        tpu.vector_store_idx %arg11[%add3A_51, %broadcast_in_dim3A_70], %exp3A : memref<80x4xf32, #tpu.memory_space<vmem>>[vector<16xi32>, vector<16xi32>], vector<16xf32>,
        tpu.vector_store_idx %arg12[%add3A_51, %broadcast_in_dim3A_70], %exp3A : memref<80x16xf32, #tpu.memory_space<vmem>>[vector<16xi32>, vector<16xi32>], vector<16xf32>,
        %add3A_71 = arith.constant 10000 : i32
        %add3A_72 = vector.broadcast %add3A_71 : i32 to vector<16xi32>
        %add3A_73 = arith.addi %get3A_54, %add3A_72 : vector<16xi32>
        %gather3A_74 = tpu.vector_load_idx %arg8[%add3A_73] : memref<80000xf32, #tpu.memory_space<vmem>>[vector<16xi32>], vector<16xf32>,
        %add3A_75 = arith.constant 50000 : i32
        %add3A_76 = vector.broadcast %add3A_75 : i32 to vector<16xi32>
        %add3A_77 = arith.addi %get3A_58, %add3A_76 : vector<16xi32>
        %gather3A_78 = tpu.vector_load_idx %arg8[%add3A_77] : memref<80000xf32, #tpu.memory_space<vmem>>[vector<16xi32>], vector<16xf32>,
        %add3A_79 = arith.addf %gather3A_74, %gather3A_78 : vector<16xf32>
        %mul3A_80 = arith.constant 2.000000e-01 : f32
        %mul3A_81 = vector.broadcast %mul3A_80 : f32 to vector<16xf32>
        %mul3A_82 = arith.mulf %mul3A_81, %add3A_79 : vector<16xf32>
        %max3A_83 = arith.maximumf %add3A_79, %mul3A_82 : vector<16xf32>
        %exp3A_84 = math.exp %max3A_83 : vector<16xf32>
        %broadcast_in_dim3A_85 = arith.constant 1 : i32
        %broadcast_in_dim3A_86 = vector.broadcast %broadcast_in_dim3A_85 : i32 to vector<16xi32>
        tpu.vector_store_idx %arg11[%add3A_51, %broadcast_in_dim3A_86], %exp3A_84 : memref<80x4xf32, #tpu.memory_space<vmem>>[vector<16xi32>, vector<16xi32>], vector<16xf32>,
        tpu.vector_store_idx %arg12[%add3A_51, %broadcast_in_dim3A_86], %exp3A_84 : memref<80x16xf32, #tpu.memory_space<vmem>>[vector<16xi32>, vector<16xi32>], vector<16xf32>,
        %add3A_87 = arith.constant 20000 : i32
        %add3A_88 = vector.broadcast %add3A_87 : i32 to vector<16xi32>
        %add3A_89 = arith.addi %get3A_54, %add3A_88 : vector<16xi32>
        %gather3A_90 = tpu.vector_load_idx %arg8[%add3A_89] : memref<80000xf32, #tpu.memory_space<vmem>>[vector<16xi32>], vector<16xf32>,
        %add3A_91 = arith.constant 60000 : i32
        %add3A_92 = vector.broadcast %add3A_91 : i32 to vector<16xi32>
        %add3A_93 = arith.addi %get3A_58, %add3A_92 : vector<16xi32>
        %gather3A_94 = tpu.vector_load_idx %arg8[%add3A_93] : memref<80000xf32, #tpu.memory_space<vmem>>[vector<16xi32>], vector<16xf32>,
        %add3A_95 = arith.addf %gather3A_90, %gather3A_94 : vector<16xf32>
        %mul3A_96 = arith.constant 2.000000e-01 : f32
        %mul3A_97 = vector.broadcast %mul3A_96 : f32 to vector<16xf32>
        %mul3A_98 = arith.mulf %mul3A_97, %add3A_95 : vector<16xf32>
        %max3A_99 = arith.maximumf %add3A_95, %mul3A_98 : vector<16xf32>
        %exp3A_100 = math.exp %max3A_99 : vector<16xf32>
        %broadcast_in_dim3A_101 = arith.constant 2 : i32
        %broadcast_in_dim3A_102 = vector.broadcast %broadcast_in_dim3A_101 : i32 to vector<16xi32>
        tpu.vector_store_idx %arg11[%add3A_51, %broadcast_in_dim3A_102], %exp3A_100 : memref<80x4xf32, #tpu.memory_space<vmem>>[vector<16xi32>, vector<16xi32>], vector<16xf32>,
        tpu.vector_store_idx %arg12[%add3A_51, %broadcast_in_dim3A_102], %exp3A_100 : memref<80x16xf32, #tpu.memory_space<vmem>>[vector<16xi32>, vector<16xi32>], vector<16xf32>,
        %add3A_103 = arith.constant 30000 : i32
        %add3A_104 = vector.broadcast %add3A_103 : i32 to vector<16xi32>
        %add3A_105 = arith.addi %get3A_54, %add3A_104 : vector<16xi32>
        %gather3A_106 = tpu.vector_load_idx %arg8[%add3A_105] : memref<80000xf32, #tpu.memory_space<vmem>>[vector<16xi32>], vector<16xf32>,
        %add3A_107 = arith.constant 70000 : i32
        %add3A_108 = vector.broadcast %add3A_107 : i32 to vector<16xi32>
        %add3A_109 = arith.addi %get3A_58, %add3A_108 : vector<16xi32>
        %gather3A_110 = tpu.vector_load_idx %arg8[%add3A_109] : memref<80000xf32, #tpu.memory_space<vmem>>[vector<16xi32>], vector<16xf32>,
        %add3A_111 = arith.addf %gather3A_106, %gather3A_110 : vector<16xf32>
        %mul3A_112 = arith.constant 2.000000e-01 : f32
        %mul3A_113 = vector.broadcast %mul3A_112 : f32 to vector<16xf32>
        %mul3A_114 = arith.mulf %mul3A_113, %add3A_111 : vector<16xf32>
        %max3A_115 = arith.maximumf %add3A_111, %mul3A_114 : vector<16xf32>
        %exp3A_116 = math.exp %max3A_115 : vector<16xf32>
        %broadcast_in_dim3A_117 = arith.constant 3 : i32
        %broadcast_in_dim3A_118 = vector.broadcast %broadcast_in_dim3A_117 : i32 to vector<16xi32>
        tpu.vector_store_idx %arg11[%add3A_51, %broadcast_in_dim3A_118], %exp3A_116 : memref<80x4xf32, #tpu.memory_space<vmem>>[vector<16xi32>, vector<16xi32>], vector<16xf32>,
        tpu.vector_store_idx %arg12[%add3A_51, %broadcast_in_dim3A_118], %exp3A_116 : memref<80x16xf32, #tpu.memory_space<vmem>>[vector<16xi32>, vector<16xi32>], vector<16xf32>,
        %scan3A_119 = arith.constant 0 : i32
        scf.yield %scan3A_119 : i32
      }
      %scan3A_44 = arith.constant 5 : i32
      "tpu.region"() ({
        %run_scoped3A = tpu.sem_alloc : memref<!tpu.dma_semaphore, #tpu.memory_space<semaphore_mem>>
        %dma_start3A = arith.constant 0 : i32
        %dma_start3A_46 = tpu.memref_slice %arg5[%add3A_37, %dma_start3A] : memref<320000x4xf32, #tpu.memory_space<hbm>> -> memref<80x4xf32, #tpu.memory_space<hbm>>
        %dma_start3A_47 = arith.constant 0 : i32
        %dma_start3A_48 = tpu.memref_slice %arg5[%add3A_37, %dma_start3A_47] : memref<320000x4xf32, #tpu.memory_space<hbm>> -> memref<80x4xf32, #tpu.memory_space<hbm>>
        tpu.enqueue_dma source(%arg11 : memref<80x4xf32, #tpu.memory_space<vmem>>) target(%dma_start3A_48 : memref<80x4xf32, #tpu.memory_space<hbm>>) target_semaphore(%run_scoped3A : memref<!tpu.dma_semaphore, #tpu.memory_space<semaphore_mem>>)
        %dma_wait3A = arith.constant 0 : i32
        %dma_wait3A_49 = tpu.memref_slice %arg5[%add3A_37, %dma_wait3A] : memref<320000x4xf32, #tpu.memory_space<hbm>> -> memref<80x4xf32, #tpu.memory_space<hbm>>
        %dma_wait3A_50 = arith.constant 0 : i32
        %dma_wait3A_51 = tpu.memref_slice %arg5[%add3A_37, %dma_wait3A_50] : memref<320000x4xf32, #tpu.memory_space<hbm>> -> memref<80x4xf32, #tpu.memory_space<hbm>>
        tpu.wait_dma2 semaphore(%run_scoped3A : memref<!tpu.dma_semaphore, #tpu.memory_space<semaphore_mem>>) src(%arg11 : memref<80x4xf32, #tpu.memory_space<vmem>>) dst(%dma_wait3A_51 : memref<80x4xf32, #tpu.memory_space<hbm>>)
        tpu.yield
      }) : () -> ()
      "tpu.region"() ({
        %run_scoped3A = tpu.sem_alloc : memref<!tpu.dma_semaphore, #tpu.memory_space<semaphore_mem>>
        %dma_start3A = arith.constant 0 : i32
        %dma_start3A_46 = arith.constant 0 : i32
        %dma_start3A_47 = tpu.memref_slice %arg14[%dma_start3A, %dma_start3A_46] : memref<10240x16xf32, #tpu.memory_space<vmem_shared>> -> memref<10240x16xf32, #tpu.memory_space<vmem_shared>>
        tpu.enqueue_indirect_dma source(%arg12 : memref<80x16xf32, #tpu.memory_space<vmem>>) target(%dma_start3A_47 : memref<10240x16xf32, #tpu.memory_space<vmem_shared>>) offsets(%arg10 : memref<80xi32, #tpu.memory_space<vmem>>) semaphore(%run_scoped3A : memref<!tpu.dma_semaphore, #tpu.memory_space<semaphore_mem>>) {add = true}
        %dma_wait3A = arith.constant 0 : i32
        %dma_wait3A_48 = arith.constant 0 : i32
        %dma_wait3A_49 = tpu.memref_slice %arg14[%dma_wait3A, %dma_wait3A_48] : memref<10240x16xf32, #tpu.memory_space<vmem_shared>> -> memref<10240x16xf32, #tpu.memory_space<vmem_shared>>
        tpu.wait_indirect_dma semaphore(%run_scoped3A : memref<!tpu.dma_semaphore, #tpu.memory_space<semaphore_mem>>) src(%arg12 : memref<80x16xf32, #tpu.memory_space<vmem>>) dst(%dma_wait3A_49 : memref<10240x16xf32, #tpu.memory_space<vmem_shared>>)
        tpu.yield
      }) : () -> ()
      %scan3A_45 = arith.constant 0 : i32
      scf.yield %scan3A_45 : i32
    }
    %scan3A_22 = arith.constant 125 : i32
    %barrier3A_23 = arith.constant 0 : index
    tpu.barrier barrier_id(%barrier3A_23)
    %eq3A = arith.constant 0 : i32
    %eq3A_24 = arith.cmpi eq, %arg0, %eq3A : i32
    %convert_element_type3A = arith.extui %eq3A_24 : i1 to i32
    %cond3A = arith.constant 0 : i32
    %cond3A_25 = arith.cmpi ne, %convert_element_type3A, %cond3A : i32
    scf.if %cond3A_25 {
      %mul3A_31 = arith.constant 640 : i32
      %mul3A_32 = arith.muli %arg1, %mul3A_31 : i32
      %mul3A_33 = arith.constant 640 : i32
      %mul3A_34 = arith.muli %arg1, %mul3A_33 : i32
      "tpu.region"() ({
        %run_scoped3A = tpu.sem_alloc : memref<!tpu.dma_semaphore, #tpu.memory_space<semaphore_mem>>
        %dma_start3A = arith.constant 0 : i32
        %dma_start3A_35 = tpu.memref_slice %arg6[%mul3A_34, %dma_start3A] : memref<10240x16xf32, #tpu.memory_space<hbm>> -> memref<640x16xf32, #tpu.memory_space<hbm>>
        %dma_start3A_36 = arith.constant 0 : i32
        %dma_start3A_37 = tpu.memref_slice %arg14[%mul3A_32, %dma_start3A_36] : memref<10240x16xf32, #tpu.memory_space<vmem_shared>> -> memref<640x16xf32, #tpu.memory_space<vmem_shared>>
        tpu.enqueue_dma source(%dma_start3A_37 : memref<640x16xf32, #tpu.memory_space<vmem_shared>>) target(%dma_start3A_35 : memref<640x16xf32, #tpu.memory_space<hbm>>) target_semaphore(%run_scoped3A : memref<!tpu.dma_semaphore, #tpu.memory_space<semaphore_mem>>)
        %dma_wait3A = arith.constant 0 : i32
        %dma_wait3A_38 = tpu.memref_slice %arg6[%mul3A_34, %dma_wait3A] : memref<10240x16xf32, #tpu.memory_space<hbm>> -> memref<640x16xf32, #tpu.memory_space<hbm>>
        %dma_wait3A_39 = arith.constant 0 : i32
        %dma_wait3A_40 = tpu.memref_slice %arg14[%mul3A_32, %dma_wait3A_39] : memref<10240x16xf32, #tpu.memory_space<vmem_shared>> -> memref<640x16xf32, #tpu.memory_space<vmem_shared>>
        tpu.wait_dma2 semaphore(%run_scoped3A : memref<!tpu.dma_semaphore, #tpu.memory_space<semaphore_mem>>) src(%dma_wait3A_40 : memref<640x16xf32, #tpu.memory_space<vmem_shared>>) dst(%dma_wait3A_38 : memref<640x16xf32, #tpu.memory_space<hbm>>)
        tpu.yield
      }) : () -> ()
    } else {
    }
    %eq3A_26 = arith.constant 1 : i32
    %eq3A_27 = arith.cmpi eq, %arg0, %eq3A_26 : i32
    %convert_element_type3A_28 = arith.extui %eq3A_27 : i1 to i32
    %cond3A_29 = arith.constant 0 : i32
    %cond3A_30 = arith.cmpi ne, %convert_element_type3A_28, %cond3A_29 : i32
    scf.if %cond3A_30 {
      %mul3A_31 = arith.constant 640 : i32
      %mul3A_32 = arith.muli %arg1, %mul3A_31 : i32
      %mul3A_33 = arith.constant 640 : i32
      %mul3A_34 = arith.muli %arg1, %mul3A_33 : i32
      "tpu.region"() ({
        %run_scoped3A = tpu.sem_alloc : memref<!tpu.dma_semaphore, #tpu.memory_space<semaphore_mem>>
        %dma_start3A = arith.constant 0 : i32
        %dma_start3A_35 = tpu.memref_slice %arg7[%mul3A_34, %dma_start3A] : memref<10240x16xf32, #tpu.memory_space<hbm>> -> memref<640x16xf32, #tpu.memory_space<hbm>>
        %dma_start3A_36 = arith.constant 0 : i32
        %dma_start3A_37 = tpu.memref_slice %arg14[%mul3A_32, %dma_start3A_36] : memref<10240x16xf32, #tpu.memory_space<vmem_shared>> -> memref<640x16xf32, #tpu.memory_space<vmem_shared>>
        tpu.enqueue_dma source(%dma_start3A_37 : memref<640x16xf32, #tpu.memory_space<vmem_shared>>) target(%dma_start3A_35 : memref<640x16xf32, #tpu.memory_space<hbm>>) target_semaphore(%run_scoped3A : memref<!tpu.dma_semaphore, #tpu.memory_space<semaphore_mem>>)
        %dma_wait3A = arith.constant 0 : i32
        %dma_wait3A_38 = tpu.memref_slice %arg7[%mul3A_34, %dma_wait3A] : memref<10240x16xf32, #tpu.memory_space<hbm>> -> memref<640x16xf32, #tpu.memory_space<hbm>>
        %dma_wait3A_39 = arith.constant 0 : i32
        %dma_wait3A_40 = tpu.memref_slice %arg14[%mul3A_32, %dma_wait3A_39] : memref<10240x16xf32, #tpu.memory_space<vmem_shared>> -> memref<640x16xf32, #tpu.memory_space<vmem_shared>>
        tpu.wait_dma2 semaphore(%run_scoped3A : memref<!tpu.dma_semaphore, #tpu.memory_space<semaphore_mem>>) src(%dma_wait3A_40 : memref<640x16xf32, #tpu.memory_space<vmem_shared>>) dst(%dma_wait3A_38 : memref<640x16xf32, #tpu.memory_space<hbm>>)
        tpu.yield
      }) : () -> ()
    } else {
    }
    return
  }
}

module attributes {stable_mosaic.version = 14 : i64} {
  func.func @_tc1_body(%arg0: memref<10000x128xf32, #tpu.memory_space<vmem>>, %arg1: memref<128x128xf32, #tpu.memory_space<vmem>>, %arg2: memref<128x8xf32, #tpu.memory_space<vmem>>, %arg3: memref<10000x128xf32, #tpu.memory_space<vmem>>, %arg4: memref<10000x8xf32, #tpu.memory_space<vmem>>) attributes {dimension_semantics = [], scalar_prefetch = 0 : i64, scratch_operands = 0 : i64, tpu.core_type = #tpu.core_type<tc>} {
    %get3A = arith.constant 0 : index
    %get3A_0 = arith.constant 0 : index
    %get3A_1 = vector.load %arg0[%get3A, %get3A_0] : memref<10000x128xf32, #tpu.memory_space<vmem>>, vector<10000x128xf32>
    %get3A_2 = arith.constant 0 : index
    %get3A_3 = arith.constant 0 : index
    %get3A_4 = vector.load %arg1[%get3A_2, %get3A_3] : memref<128x128xf32, #tpu.memory_space<vmem>>, vector<128x128xf32>
    %dot_general3A = arith.constant dense<0.000000e+00> : vector<10000x128xf32>
    %dot_general3A_5 = tpu.matmul %get3A_1, %get3A_4, %dot_general3A {dimension_numbers = #tpu.dot_dimension_numbers<[1], [0], [0], [1], [0, 0, 1, 1], [], []>, transpose_lhs_hint = false} : vector<10000x128xf32>, vector<128x128xf32>, vector<10000x128xf32> -> vector<10000x128xf32>
    %swap3A = arith.constant 0 : index
    %swap3A_6 = arith.constant 0 : index
    %swap3A_7 = vector.load %arg3[%swap3A, %swap3A_6] : memref<10000x128xf32, #tpu.memory_space<vmem>>, vector<10000x128xf32>
    tpu.vector_store %arg3[%swap3A, %swap3A_6], %dot_general3A_5 {strides = array<i32>} : memref<10000x128xf32, #tpu.memory_space<vmem>>, vector<10000x128xf32>,
    %get3A_8 = arith.constant 0 : index
    %get3A_9 = arith.constant 0 : index
    %get3A_10 = vector.load %arg2[%get3A_8, %get3A_9] : memref<128x8xf32, #tpu.memory_space<vmem>>, vector<128x8xf32>
    %dot_general3A_11 = arith.constant dense<0.000000e+00> : vector<10000x8xf32>
    %dot_general3A_12 = tpu.matmul %dot_general3A_5, %get3A_10, %dot_general3A_11 {dimension_numbers = #tpu.dot_dimension_numbers<[1], [0], [0], [1], [0, 0, 1, 1], [], []>, transpose_lhs_hint = false} : vector<10000x128xf32>, vector<128x8xf32>, vector<10000x8xf32> -> vector<10000x8xf32>
    %swap3A_13 = arith.constant 0 : index
    %swap3A_14 = arith.constant 0 : index
    %swap3A_15 = vector.load %arg4[%swap3A_13, %swap3A_14] : memref<10000x8xf32, #tpu.memory_space<vmem>>, vector<10000x8xf32>
    tpu.vector_store %arg4[%swap3A_13, %swap3A_14], %dot_general3A_12 {strides = array<i32>} : memref<10000x8xf32, #tpu.memory_space<vmem>>, vector<10000x8xf32>,
    return
  }
}

module attributes {stable_mosaic.version = 14 : i64} {
  func.func @_tc2_body(%arg0: memref<10240x64xf32, #tpu.memory_space<vmem>>, %arg1: memref<10240x64xf32, #tpu.memory_space<vmem>>, %arg2: memref<10240x16xf32, #tpu.memory_space<vmem>>, %arg3: memref<10240x16xf32, #tpu.memory_space<vmem>>, %arg4: memref<1x128xf32, #tpu.memory_space<vmem>>, %arg5: memref<1x128xf32, #tpu.memory_space<vmem>>, %arg6: memref<1x128xf32, #tpu.memory_space<vmem>>, %arg7: memref<10000x128xf32, #tpu.memory_space<vmem>>) attributes {dimension_semantics = [], scalar_prefetch = 0 : i64, scratch_operands = 0 : i64, tpu.core_type = #tpu.core_type<tc>} {
    %get3A = arith.constant 0 : index
    %get3A_0 = arith.constant 0 : index
    %get3A_1 = vector.load %arg2[%get3A, %get3A_0] : memref<10240x16xf32, #tpu.memory_space<vmem>>, vector<10240x16xf32>
    %slice3A = vector.extract_strided_slice %get3A_1 {offsets = [0, 0], sizes = [10000, 4], strides = [1, 1]} : vector<10240x16xf32> to vector<10000x4xf32>
    %get3A_2 = arith.constant 0 : index
    %get3A_3 = arith.constant 0 : index
    %get3A_4 = vector.load %arg3[%get3A_2, %get3A_3] : memref<10240x16xf32, #tpu.memory_space<vmem>>, vector<10240x16xf32>
    %slice3A_5 = vector.extract_strided_slice %get3A_4 {offsets = [0, 0], sizes = [10000, 4], strides = [1, 1]} : vector<10240x16xf32> to vector<10000x4xf32>
    %add3A = arith.addf %slice3A, %slice3A_5 : vector<10000x4xf32>
    %eq3A = arith.constant 0.000000e+00 : f32
    %eq3A_6 = vector.broadcast %eq3A : f32 to vector<10000x4xf32>
    %eq3A_7 = arith.cmpf oeq, %add3A, %eq3A_6 : vector<10000x4xf32>
    %jit3A = arith.constant 1.000000e+00 : f32
    %broadcast_in_dim3A = vector.broadcast %jit3A : f32 to vector<10000x4xf32>
    %select_n3A = arith.select %eq3A_7, %broadcast_in_dim3A, %add3A : vector<10000x4xi1>, vector<10000x4xf32>
    %div3A = arith.constant 1.000000e+00 : f32
    %div3A_8 = vector.broadcast %div3A : f32 to vector<10000x4xf32>
    %div3A_9 = arith.divf %div3A_8, %select_n3A : vector<10000x4xf32>
    %get3A_10 = arith.constant 0 : index
    %get3A_11 = arith.constant 0 : index
    %get3A_12 = vector.load %arg0[%get3A_10, %get3A_11] : memref<10240x64xf32, #tpu.memory_space<vmem>>, vector<10000x32xf32>
    %slice3A_13 = vector.extract_strided_slice %div3A_9 {offsets = [0, 0], sizes = [10000, 1], strides = [1, 1]} : vector<10000x4xf32> to vector<10000x1xf32>
    %mul3A = vector.broadcast %slice3A_13 : vector<10000x1xf32> to vector<10000x32xf32>
    %mul3A_14 = arith.mulf %get3A_12, %mul3A : vector<10000x32xf32>
    %get3A_15 = arith.constant 0 : index
    %get3A_16 = arith.constant 0 : index
    %get3A_17 = vector.load %arg4[%get3A_15, %get3A_16] : memref<1x128xf32, #tpu.memory_space<vmem>>, vector<1x32xf32>
    %add3A_18 = vector.broadcast %get3A_17 : vector<1x32xf32> to vector<10000x32xf32>
    %add3A_19 = arith.addf %mul3A_14, %add3A_18 : vector<10000x32xf32>
    %swap3A = arith.constant 0 : index
    %swap3A_20 = arith.constant 0 : index
    %swap3A_21 = vector.load %arg7[%swap3A, %swap3A_20] : memref<10000x128xf32, #tpu.memory_space<vmem>>, vector<10000x32xf32>
    tpu.vector_store %arg7[%swap3A, %swap3A_20], %add3A_19 {strides = array<i32>} : memref<10000x128xf32, #tpu.memory_space<vmem>>, vector<10000x32xf32>,
    %get3A_22 = arith.constant 0 : index
    %get3A_23 = arith.constant 32 : index
    %get3A_24 = vector.load %arg0[%get3A_22, %get3A_23] : memref<10240x64xf32, #tpu.memory_space<vmem>>, vector<10000x32xf32>
    %slice3A_25 = vector.extract_strided_slice %div3A_9 {offsets = [0, 1], sizes = [10000, 1], strides = [1, 1]} : vector<10000x4xf32> to vector<10000x1xf32>
    %mul3A_26 = vector.broadcast %slice3A_25 : vector<10000x1xf32> to vector<10000x32xf32>
    %mul3A_27 = arith.mulf %get3A_24, %mul3A_26 : vector<10000x32xf32>
    %get3A_28 = arith.constant 0 : index
    %get3A_29 = arith.constant 32 : index
    %get3A_30 = vector.load %arg4[%get3A_28, %get3A_29] : memref<1x128xf32, #tpu.memory_space<vmem>>, vector<1x32xf32>
    %add3A_31 = vector.broadcast %get3A_30 : vector<1x32xf32> to vector<10000x32xf32>
    %add3A_32 = arith.addf %mul3A_27, %add3A_31 : vector<10000x32xf32>
    %swap3A_33 = arith.constant 0 : index
    %swap3A_34 = arith.constant 32 : index
    %swap3A_35 = vector.load %arg7[%swap3A_33, %swap3A_34] : memref<10000x128xf32, #tpu.memory_space<vmem>>, vector<10000x32xf32>
    tpu.vector_store %arg7[%swap3A_33, %swap3A_34], %add3A_32 {strides = array<i32>} : memref<10000x128xf32, #tpu.memory_space<vmem>>, vector<10000x32xf32>,
    %get3A_36 = arith.constant 0 : index
    %get3A_37 = arith.constant 0 : index
    %get3A_38 = vector.load %arg1[%get3A_36, %get3A_37] : memref<10240x64xf32, #tpu.memory_space<vmem>>, vector<10000x32xf32>
    %slice3A_39 = vector.extract_strided_slice %div3A_9 {offsets = [0, 2], sizes = [10000, 1], strides = [1, 1]} : vector<10000x4xf32> to vector<10000x1xf32>
    %mul3A_40 = vector.broadcast %slice3A_39 : vector<10000x1xf32> to vector<10000x32xf32>
    %mul3A_41 = arith.mulf %get3A_38, %mul3A_40 : vector<10000x32xf32>
    %get3A_42 = arith.constant 0 : index
    %get3A_43 = arith.constant 64 : index
    %get3A_44 = vector.load %arg4[%get3A_42, %get3A_43] : memref<1x128xf32, #tpu.memory_space<vmem>>, vector<1x32xf32>
    %add3A_45 = vector.broadcast %get3A_44 : vector<1x32xf32> to vector<10000x32xf32>
    %add3A_46 = arith.addf %mul3A_41, %add3A_45 : vector<10000x32xf32>
    %swap3A_47 = arith.constant 0 : index
    %swap3A_48 = arith.constant 64 : index
    %swap3A_49 = vector.load %arg7[%swap3A_47, %swap3A_48] : memref<10000x128xf32, #tpu.memory_space<vmem>>, vector<10000x32xf32>
    tpu.vector_store %arg7[%swap3A_47, %swap3A_48], %add3A_46 {strides = array<i32>} : memref<10000x128xf32, #tpu.memory_space<vmem>>, vector<10000x32xf32>,
    %get3A_50 = arith.constant 0 : index
    %get3A_51 = arith.constant 32 : index
    %get3A_52 = vector.load %arg1[%get3A_50, %get3A_51] : memref<10240x64xf32, #tpu.memory_space<vmem>>, vector<10000x32xf32>
    %slice3A_53 = vector.extract_strided_slice %div3A_9 {offsets = [0, 3], sizes = [10000, 1], strides = [1, 1]} : vector<10000x4xf32> to vector<10000x1xf32>
    %mul3A_54 = vector.broadcast %slice3A_53 : vector<10000x1xf32> to vector<10000x32xf32>
    %mul3A_55 = arith.mulf %get3A_52, %mul3A_54 : vector<10000x32xf32>
    %get3A_56 = arith.constant 0 : index
    %get3A_57 = arith.constant 96 : index
    %get3A_58 = vector.load %arg4[%get3A_56, %get3A_57] : memref<1x128xf32, #tpu.memory_space<vmem>>, vector<1x32xf32>
    %add3A_59 = vector.broadcast %get3A_58 : vector<1x32xf32> to vector<10000x32xf32>
    %add3A_60 = arith.addf %mul3A_55, %add3A_59 : vector<10000x32xf32>
    %swap3A_61 = arith.constant 0 : index
    %swap3A_62 = arith.constant 96 : index
    %swap3A_63 = vector.load %arg7[%swap3A_61, %swap3A_62] : memref<10000x128xf32, #tpu.memory_space<vmem>>, vector<10000x32xf32>
    tpu.vector_store %arg7[%swap3A_61, %swap3A_62], %add3A_60 {strides = array<i32>} : memref<10000x128xf32, #tpu.memory_space<vmem>>, vector<10000x32xf32>,
    %get3A_64 = arith.constant 0 : index
    %get3A_65 = arith.constant 0 : index
    %get3A_66 = vector.load %arg7[%get3A_64, %get3A_65] : memref<10000x128xf32, #tpu.memory_space<vmem>>, vector<10000x128xf32>
    %reduce_sum3A = arith.constant dense<0.000000e+00> : vector<128xf32>
    %reduce_sum3A_67 = vector.multi_reduction <add>, %get3A_66, %reduce_sum3A [0] : vector<10000x128xf32> to vector<128xf32>
    %broadcast_in_dim3A_68 = vector.shape_cast %reduce_sum3A_67 : vector<128xf32> to vector<1x128xf32>
    %div3A_69 = arith.constant 1.000000e+04 : f32
    %div3A_70 = vector.broadcast %div3A_69 : f32 to vector<1x128xf32>
    %div3A_71 = arith.divf %broadcast_in_dim3A_68, %div3A_70 : vector<1x128xf32>
    %sub3A = vector.broadcast %div3A_71 : vector<1x128xf32> to vector<10000x128xf32>
    %sub3A_72 = arith.subf %get3A_66, %sub3A : vector<10000x128xf32>
    %mul3A_73 = arith.mulf %sub3A_72, %sub3A_72 : vector<10000x128xf32>
    %reduce_sum3A_74 = arith.constant dense<0.000000e+00> : vector<128xf32>
    %reduce_sum3A_75 = vector.multi_reduction <add>, %mul3A_73, %reduce_sum3A_74 [0] : vector<10000x128xf32> to vector<128xf32>
    %broadcast_in_dim3A_76 = vector.shape_cast %reduce_sum3A_75 : vector<128xf32> to vector<1x128xf32>
    %div3A_77 = arith.constant 1.000000e+04 : f32
    %div3A_78 = vector.broadcast %div3A_77 : f32 to vector<1x128xf32>
    %div3A_79 = arith.divf %broadcast_in_dim3A_76, %div3A_78 : vector<1x128xf32>
    %add3A_80 = arith.constant 9.99999974E-6 : f32
    %add3A_81 = vector.broadcast %add3A_80 : f32 to vector<1x128xf32>
    %add3A_82 = arith.addf %div3A_79, %add3A_81 : vector<1x128xf32>
    %rsqrt3A = math.rsqrt %add3A_82 : vector<1x128xf32>
    %mul3A_83 = vector.broadcast %rsqrt3A : vector<1x128xf32> to vector<10000x128xf32>
    %mul3A_84 = arith.mulf %sub3A_72, %mul3A_83 : vector<10000x128xf32>
    %get3A_85 = arith.constant 0 : index
    %get3A_86 = arith.constant 0 : index
    %get3A_87 = vector.load %arg5[%get3A_85, %get3A_86] : memref<1x128xf32, #tpu.memory_space<vmem>>, vector<1x128xf32>
    %mul3A_88 = vector.broadcast %get3A_87 : vector<1x128xf32> to vector<10000x128xf32>
    %mul3A_89 = arith.mulf %mul3A_84, %mul3A_88 : vector<10000x128xf32>
    %get3A_90 = arith.constant 0 : index
    %get3A_91 = arith.constant 0 : index
    %get3A_92 = vector.load %arg6[%get3A_90, %get3A_91] : memref<1x128xf32, #tpu.memory_space<vmem>>, vector<1x128xf32>
    %add3A_93 = vector.broadcast %get3A_92 : vector<1x128xf32> to vector<10000x128xf32>
    %add3A_94 = arith.addf %mul3A_89, %add3A_93 : vector<10000x128xf32>
    %max3A = arith.constant 0.000000e+00 : f32
    %max3A_95 = vector.broadcast %max3A : f32 to vector<10000x128xf32>
    %max3A_96 = arith.maximumf %add3A_94, %max3A_95 : vector<10000x128xf32>
    %swap3A_97 = arith.constant 0 : index
    %swap3A_98 = arith.constant 0 : index
    %swap3A_99 = vector.load %arg7[%swap3A_97, %swap3A_98] : memref<10000x128xf32, #tpu.memory_space<vmem>>, vector<10000x128xf32>
    tpu.vector_store %arg7[%swap3A_97, %swap3A_98], %max3A_96 {strides = array<i32>} : memref<10000x128xf32, #tpu.memory_space<vmem>>, vector<10000x128xf32>,
    return
  }
}

</mosaic_0001>

<sc_bundles>
// kernel: kernel.6.cloned.1.call-start
scs
__scs_entry_jumppad:
0x0: {  	(pc) =	sbr.rel $0x88, $3  }
0x1: {  	(tag) =	ssettag $0x0;
	lr =	simm.s32 $0x1  }
0x2: {  	[smem:$0x3F99] =	sst lr;
	_ =	strace $0xD0000000  }
0x3: {  	_ = 	snop  }
0x4: {  	_ = 	snop  }
0x5: {  	_ = 	snop  }
0x6: {  	_ = 	snop  }
0x7: {  	_ = 	snop  }
__scs_overlays_trampoline_lowered:
0x8: {  	[smem:$0x3FA8] =	sst s0  }
0x9: {  	[smem:$0x3FA9] =	sst s1  }
0xa: {  	[smem:$0x3FAA] =	sst s2  }
0xb: {  	[smem:$0x3FAB] =	sst s3  }
0xc: {  	[smem:$0x3FAC] =	sst s4  }
0xd: {  	[smem:$0x3FAD] =	sst s5  }
0xe: {  	[smem:$0x3FAE] =	sst s6  }
0xf: {  	[smem:$0x3FAF] =	sst s7  }
0x10: {  	[smem:$0x3FB0] =	sst s8  }
0x11: {  	[smem:$0x3FB1] =	sst s9;
	s0 =	simm.s32 @!p0 $0x0  }
0x12: {  	s1 =	sld [smem:$0x3F97];
	s0 =	simm.s32 @p0 $0x1  }
0x13: {  	[smem:$0x3FB2] =	sst s0;
	s0 =	simm.s32 @!p1 $0x0  }
0x14: {  	s2 =	sld [smem:$0x3F96];
	s0 =	simm.s32 @p1 $0x1  }
0x15: {  	[smem:$0x3FB3] =	sst s0;
	s0 =	simm.s32 @!p2 $0x0  }
0x16: {  	s3 =	sld [smem:$0x3FDB];
	s0 =	simm.s32 @p2 $0x1  }
0x17: {  	s4 =	simm.s32 $0x1BF5;
	[smem:$0x3FB5] =	sst s0  }
0x18: {  	s0 =	sld [smem:$0x3F98];
	_ =	swait.ge [sflag:s4], $0x0  }
0x19: {  	s7 =	sld [smem:$0x3F99]  }
0x1a: {  	s8 =	sadd.s32 $0xFFFFE003, lr  }
0x1b: {  	s9 =	sadd.s32 $0xFFFFFEF7, lr;
	s5 =	simm.s32 $0xFFFFFFFF;
	p2 =	slt.u32 s8, $0xFFFFF086  }
0x1c: {  	p1 =	slt.u32 s9, $0xF7A;
	s5 =	simm.s32 @!p2 $0x0  }
0x1d: {  	s5 =	simm.s32 @p1 $0x1;
	p0 =	seq.s32 s7, s2  }
0x1e: {  	s7 =	smul.u32 @!p0 $0xF7A, s2;
	p2 =	seq.s32 @!p0 s5, $0x0  }
0x1f: {  	s9 =	smul.u32 $0xF7A, s1;
	s8 =	simm.s32 @!p0 $0x1BF5;
	p2 =	por !p2, p0  }
0x20: {  	[sflag:s8] =	ssyncset.s32 @!p0 $0xFFFFF086;
	s6 =	sadd.s32 @!p0 s3, s7;
	s7 =	simm.s32 @!p0 $0x108  }
0x21: {  	s3 =	sadd.s32 s3, s9;
	s6 =	sadd.s32 @!p0 $0x88, s6;
	s7 =	simm.s32 @p2 $0x1082  }
0x22: {  	[simem:s7], [sflag:s8] =	dma.local @!p0 [hbm:s6], $0xF7A  }
0x23: {  	s9 =	sor.u32 $0xD0000000, s2;
	s6 =	simm.s32 $0x108;
	_ =	swait.ge @!p0 [sflag:s8], $0x0  }
0x24: {  	s3 =	sadd.s32 $0x88, s3;
	s6 =	simm.s32 @!p1 $0x1082;
	[sflag:s4] =	ssyncset.s32 $0xFFFFF086  }
0x25: {  	[simem:s6], [sflag:s4] =	dma.local [hbm:s3], $0xF7A  }
0x26: {  	[smem:$0x3F99] =	sst s1;
	(tag) =	ssettag s2;
	_ =	strace s9  }
0x27: {  	s1 =	sld [smem:$0x3FA9]  }
0x28: {  	s2 =	sld [smem:$0x3FAA]  }
0x29: {  	s4 =	sld [smem:$0x3FAC]  }
0x2a: {  	p0 =	seq.s32 s5, $0x0;
	s5 =	sld [smem:$0x3FAD]  }
0x2b: {  	s6 =	sld [smem:$0x3FAE]  }
0x2c: {  	s7 =	sld [smem:$0x3FAF]  }
0x2d: {  	s3 =	simm.s32 $0x108;
	s8 =	sld [smem:$0x3FB0]  }
0x2e: {  	s3 =	simm.s32 @!p0 $0x1082;
	s9 =	sld [smem:$0x3FB1]  }
0x2f: {  	lr =	sadd.s32 s0, s3;
	s0 =	sld [smem:$0x3FA8]  }
0x30: {  	s3 =	sld [smem:$0x3FAB]  }
0x31: {  	[smem:$0x3FB4] =	sst s10  }
0x32: {  	s10 =	sld [smem:$0x3FB2];
	_ =	sdelay $0x3  }
0x33: {  	p0 =	seq.s32 s10, $0x1;
	s10 =	sld [smem:$0x3FB4];
	_ =	sdelay $0x3  }
0x34: {  	[smem:$0x3FB4] =	sst s10  }
0x35: {  	s10 =	sld [smem:$0x3FB3];
	_ =	sdelay $0x3  }
0x36: {  	p1 =	seq.s32 s10, $0x1;
	s10 =	sld [smem:$0x3FB4];
	_ =	sdelay $0x3  }
0x37: {  	[smem:$0x3FB4] =	sst s10  }
0x38: {  	s10 =	sld [smem:$0x3FB5]  }
0x39: {  	_ = 	snop;
	(pc) =	sbr.ind lr, $3  }
0x3a: {  	_ = 	snop  }
0x3b: {  	_ = 	snop  }
0x3c: {  	p2 =	seq.s32 s10, $0x1;
	s10 =	sld [smem:$0x3FB4]  }
0x3d: {  	_ =	shalt  }
0x3e: {  	_ =	shalt  }
0x3f: {  	_ =	shalt  }
0x40: {  	_ =	shalt  }
0x41: {  	_ =	shalt  }
0x42: {  	_ =	shalt  }
0x43: {  	_ =	shalt  }
0x44: {  	_ =	shalt  }
0x45: {  	_ =	shalt  }
0x46: {  	_ =	shalt  }
0x47: {  	_ =	shalt  }
0x48: {  	_ =	shalt  }
0x49: {  	_ =	shalt  }
0x4a: {  	_ =	shalt  }
0x4b: {  	_ =	shalt  }
0x4c: {  	_ =	shalt  }
0x4d: {  	_ =	shalt  }
0x4e: {  	_ =	shalt  }
0x4f: {  	_ =	shalt  }
0x50: {  	_ =	shalt  }
0x51: {  	_ =	shalt  }
0x52: {  	_ =	shalt  }
0x53: {  	_ =	shalt  }
0x54: {  	_ =	shalt  }
0x55: {  	_ =	shalt  }
0x56: {  	_ =	shalt  }
0x57: {  	_ =	shalt  }
0x58: {  	_ =	shalt  }
0x59: {  	_ =	shalt  }
0x5a: {  	_ =	shalt  }
0x5b: {  	_ =	shalt  }
0x5c: {  	_ =	shalt  }
0x5d: {  	_ =	shalt  }
0x5e: {  	_ =	shalt  }
0x5f: {  	_ =	shalt  }
0x60: {  	_ =	shalt  }
0x61: {  	_ =	shalt  }
0x62: {  	_ =	shalt  }
0x63: {  	_ =	shalt  }
0x64: {  	_ =	shalt  }
0x65: {  	_ =	shalt  }
0x66: {  	_ =	shalt  }
0x67: {  	_ =	shalt  }
0x68: {  	_ =	shalt  }
0x69: {  	_ =	shalt  }
0x6a: {  	_ =	shalt  }
0x6b: {  	_ =	shalt  }
0x6c: {  	_ =	shalt  }
0x6d: {  	_ =	shalt  }
0x6e: {  	_ =	shalt  }
0x6f: {  	_ =	shalt  }
0x70: {  	_ =	shalt  }
0x71: {  	_ =	shalt  }
0x72: {  	_ =	shalt  }
0x73: {  	_ =	shalt  }
0x74: {  	_ =	shalt  }
0x75: {  	_ =	shalt  }
0x76: {  	_ =	shalt  }
0x77: {  	_ =	shalt  }
0x78: {  	_ =	shalt  }
0x79: {  	_ =	shalt  }
0x7a: {  	_ =	shalt  }
0x7b: {  	_ =	shalt  }
0x7c: {  	_ =	shalt  }
0x7d: {  	_ =	shalt  }
0x7e: {  	_ =	shalt  }
0x7f: {  	_ =	shalt  }
0x80: {  	_ =	shalt  }
0x81: {  	_ =	shalt  }
0x82: {  	_ =	shalt  }
0x83: {  	_ =	shalt  }
0x84: {  	_ =	shalt  }
0x85: {  	_ =	shalt  }
0x86: {  	_ =	shalt  }
0x87: {  	_ =	shalt  }
.Lfunc_end0:
.L_simem_size_0:
called_computation_lowered:
.L_overlay_start_0:
0x88: {  	s2 =	sld [smem:$0x3FD9]  }
0x89: {  	s3 =	sld [smem:$0x3FFE];
	_ =	sdelay $0x1  }
0x8a: {  	s1 =	srdreg.scid  }
0x8b: {  	s0 =	sand.u32 $0x1, s1  }
0x8c: {  	s16 =	sshll.u32 s0, $0xA;
	s2 =	sadd.s32 s3, s2  }
0x8d: {  	s2 =	sadd.s32 s2, s16  }
0x8e: {  	[smem:$0x3FC0] =	sst s2  }
0x8f: {  	_ = 	snop  }
0x90: {  	(tm) =	ssettm $0x1  }
0x91: {  	s17 =	sld [smem:$0x3FFB];
	_ =	sdelay $0x3  }
0x92: {  	_ =	strace s17  }
0x93: {  	s2 =	sld [smem:$0x3FFC];
	_ =	sdelay $0x3  }
0x94: {  	_ =	strace s2  }
0x95: {  	s2 =	sld [smem:$0x3FFD];
	_ =	sdelay $0x3  }
0x96: {  	_ =	strace s2  }
0x97: {  	_ =	strace $0x8FFFFFFF  }
0x98: {  	s18 =	sld [smem:$0x3FDB];
	_ =	sdelay $0x1  }
0x99: {  	s19 =	simm.s32 $_scs_section_size  }
0x9a: {  	s4 =	simm.s32 $_size__tile_overlayer_lowered;
	s5 =	simm.s32 $_tile_overlayer_lowered  }
0x9b: {  	s22 =	simm.s32 $0x1BFF;
	s21 =	sshll.u32 s5, $0x1;
	s2 =	sadd.s32 s19, s18  }
0x9c: {  	s6 =	simm.s32 $0x0;
	s20 =	sshll.u32 s4, $0x1;
	s4 =	sadd.s32 s21, s2  }
0x9d: {  	[timem:s6], [sflag:s22] =	dma.local [hbm:s4], s20  }
0x9e: {  	_ =	swait.ge [sflag:s22], s20  }
0x9f: {  	s3 =	ssub.s32 $0x0, s20;
	[sflag:s22] =	ssyncset.done $0x0  }
0xa0: {  	[sflag:s22] =	ssyncadd.s32 s3;
	_ =	sdelay $0x1  }
0xa1: {  	s23 =	simm.s32 $0x1B8B  }
0xa2: {  	_ =	swait.ge [sflag:s23], $0x1  }
0xa3: {  	[sflag:s23] =	ssyncset.done $0x0  }
0xa4: {  	s25 =	simm.s32 $0x1B8E;
	s24 =	sld [smem:$0x3FFE];
	[sflag:s23] =	ssyncadd.s32 $0xFFFFFFFF  }
0xa5: {  	s26 =	simm.s32 $execute0_lowered;
	[smem:$0x3FD2] =	sst s25  }
0xa6: {  	s4 =	sshll.u32 s26, $0x1;
	_ =	strace $0x80000046;
	[dreg:$0x1] =	wrdreg $0xFFFFFFFF  }
0xa7: {  	s28 =	simm.s32 $_size_execute0_lowered;
	s2 =	sadd.s32 s2, s4;
	[dreg:$0x0] =	wrdreg $0x0  }
0xa8: {  	s4 =	sshll.u32 s28, $0x1;
	[dreg:$0x2] =	wrdreg s2  }
0xa9: {  	[dreg:$0x3] =	wrdreg s4  }
0xaa: {  	[dreg:$0x4] =	wrdreg $0xC0  }
0xab: {  	_ =	task [dreg:s6], $0x5FFFF  }
0xac: {  	[dreg:$0x1] =	wrdreg $0xFFFFFFFF  }
0xad: {  	[dreg:$0x0] =	wrdreg $0x60  }
0xae: {  	[dreg:$0x2] =	wrdreg s24  }
0xaf: {  	[dreg:$0x3] =	wrdreg $0x168A00  }
0xb0: {  	[dreg:$0x4] =	wrdreg $0x9  }
0xb1: {  	_ =	task.clear_ibuf [dreg:s6], $0x5FFFF;
	_ =	strace $0x90000046  }
0xb2: {  	s29 =	simm.s32 $0x9;
	_ =	strace $0x80000048  }
0xb3: {  	_ =	swait.ge [sflag:s29], $0x1  }
0xb4: {  	[sflag:s29] =	ssyncadd.s32 $0xFFFFFFFF  }
0xb5: {  	_ =	strace $0x90000048  }
0xb6: {  	_ =	sfence  }
0xb7: {  	s30 =	sld [smem:$0x0];
	_ =	sdelay $0x2  }
0xb8: {  	s31 =	sshll.u32 s1, $0xD;
	s1 =	sshrl.u32 s1, $0x2  }
0xb9: {  	s3 =	sand.u32 $0x4000, s31;
	s1 =	sadd.s32 s1, s30  }
0xba: {  	s0 =	sor.u32 s3, s0;
	s1 =	sshll.u32 s1, $0x11  }
0xbb: {  	s0 =	sor.u32 s1, s0  }
0xbc: {  	s0 =	sadd.s32 $0x8F2B, s0  }
0xbd: {  	[sflag:s0] =	ssyncadd.remote.s32 $0x1  }
0xbe: {  	_ =	sfence.sel $0xFFFF  }
0xbf: {  	[dreg:$0x0] =	wrdreg $0xFFFFFFFF;
	(pc) =	sbr.abs _section_cstart, $3  }
0xc0: {  	[dreg:$0x1] =	wrdreg $0xFFFFFFFF  }
0xc1: {  	_ =	task.clear_ibuf [dreg:s6], $0x2FFFF;
	_ =	strace $0x9FFFFFFF  }
0xc2: {  	(tm) =	ssettm $0x7FFFFFFF  }
0xc3: {  	_ =	shalt  }
tec
execute0_lowered:
.L_overlay_start_1:
0x0: {  	(tag) =	ssettag $0x1  }
0x1: {  	s10 =	rddreg [dreg:$0x0]  }
0x2: {  	s1 =	rddreg [dreg:$0x1]  }
0x3: {  	s0 =	rddreg [dreg:$0x2];
	s2 =	simm.s32 $0x0;
	s3 =	srdreg.scid  }
0x4: {  	s13 =	simm.s32 $0x18400;
	s14 =	simm.s32 $0x13920;
	s15 =	simm.s32 $0x13BA0  }
0x5: {  	s16 =	simm.s32 $0x50;
	s17 =	simm.s32 $0x138D0;
	s18 =	simm.s32 $0x0  }
0x6: {  	[smem:$0x7FF] =	sst s2;
	s8 =	sand.u32 $0x1, s3;
	s4 =	sadd.s32 $0xE600, s10  }
0x7: {  	s5 =	sadd.s32 $0x4800, s10;
	s6 =	sadd.s32 $0x2000, s10;
	s3 =	stileid.u32  }
0x8: {  	s7 =	sadd.s32 $0x22400, s10;
	_ =	strace $0x80000047;
	s9 =	ssub.s32 $0x2, s8  }
0x9: {  	s12 =	smul.u32 $0x2800, s3;
	p0 =	seq.s32 s8, $0x1;
	s11 =	sshrl.u32 s9, $0x1  }
0xa: {  	s31 =	sshll.u32 s3, $0x1;
	s13 =	simm.s32 @!p0 $0x1D400;
	s11 =	ssub.s32 s9, s11  }
0xb: {  	s9 =	sor.u32 s8, s31;
	s8 =	sadd.s32 s12, s1;
	s12 =	sshrl.u32 s12, $0x3  }
0xc: {  	s13 =	sadd.s32 s13, s10;
	s9 =	smul.u32 $0x2710, s9;
	s10 =	smax.u32 s11, $0x1  }
0xd: {  	v0 =	vimm.f32 $0.0e+00;
	v1 =	vlaneseq.u32;
	s11 =	sadd.s32 s13, s12;
	s12 =	simm.s32 $0x140A0;
	s13 =	simm.s32 $0x1  }
.LBB2_1:
0xe: {  	s19 =	simm.s32 $0x40;
	s20 =	simm.s32 $0x0  }
.LBB2_2:
0xf: {  	p0 =	sne.s32 s19, $0x9FC0;
	[tilespmem:s20+$0x140A0] =	vst v0;
	s20 =	smov.u32 s19;
	s19 =	sadd.s32 $0x40, s19  }
.Ltmp0:
0x10: {  	(pc) =	sbr.rel @p0 .LBB2_2-.Ltmp0, $2  }
0x11: {  	_ =	sdelay $0x2  }
0x12: {  	s20 =	sshra.s32 s20, $0x2  }
0x13: {  	[tilespmem:s20+$0x140A0] =	vst v0  }
0x14: {  	[spmem:s8] =	stream.linear.scatter [tilespmem:s12], [sflag:$0x1], $0x2800, $0x38;
	[tilespmem:$0x190A0] =	vst v63  }
0x15: {  	_ =	swait.ge [sflag:s13], $0x2800  }
0x16: {  	[sflag:s13] =	ssyncset.done $0x0  }
0x17: {  	s19 =	simm.s32 $0x40;
	s20 =	simm.s32 $0x0;
	[sflag:s13] =	ssyncadd.s32 $0xFFFFD800  }
.LBB2_4:
0x18: {  	p0 =	sne.s32 s19, $0x13C0;
	[tilespmem:s20+$0x13BA0] =	vst v0;
	s20 =	smov.u32 s19;
	s19 =	sadd.s32 $0x40, s19  }
.Ltmp1:
0x19: {  	(pc) =	sbr.rel @p0 .LBB2_4-.Ltmp1, $2  }
0x1a: {  	_ =	sdelay $0x2  }
0x1b: {  	s20 =	sshra.s32 s20, $0x2  }
0x1c: {  	[tilespmem:s20+$0x13BA0] =	vst v0;
	s19 =	simm.s32 $0x0  }
0x1d: {  	[tilespmem:s19], [sflag:$0x1] =	stream.linear.gather [hbm4b:s6+s19], $0x13880, $0x38;
	[tilespmem:$0x190A0] =	vst v63  }
0x1e: {  	_ =	swait.ge [sflag:s13], $0x13880  }
0x1f: {  	[sflag:s13] =	ssyncset.done $0x0  }
0x20: {  	[sflag:s13] =	ssyncadd.s32 $0xFFFEC780  }
0x21: {  	s20 =	simm.s32 $0x0;
	[bflag:$0x0] =	sbarrier.arrive $0xFFFF  }
.LBB2_6:
0x22: {  	s21 =	smul.u32 $0x50, s20;
	_ =	sdelay $0x1  }
0x23: {  	s21 =	sadd.s32 s9, s21  }
0x24: {  	s23 =	sshrl.u32 s21, $0x3  }
0x25: {  	s22 =	simm.s32 $0x13880;
	s24 =	sadd.s32 s4, s23  }
0x26: {  	[tilespmem:s22], [sflag:$0x1] =	stream.linear.gather [hbm4b:s24+s19], $0x50, $0x38;
	[tilespmem:$0x190A0] =	vst v63  }
0x27: {  	_ =	swait.ge [sflag:s13], $0x50  }
0x28: {  	[sflag:s13] =	ssyncset.done $0x0  }
0x29: {  	s31 =	sadd.s32 s5, s23;
	s23 =	simm.s32 $0x138D0;
	[sflag:s13] =	ssyncadd.s32 $0xFFFFFFB0  }
0x2a: {  	[tilespmem:s23], [sflag:$0x1] =	stream.linear.gather [hbm4b:s31+s19], $0x50, $0x38;
	[tilespmem:$0x190A0] =	vst v63  }
0x2b: {  	_ =	swait.ge [sflag:s13], $0x50  }
0x2c: {  	[sflag:s13] =	ssyncset.done $0x0  }
0x2d: {  	[sflag:s13] =	ssyncadd.s32 $0xFFFFFFB0  }
0x2e: {  	v2 =	vld [tilespmem:s23+$0x0]  }
0x2f: {  	v3 =	vld [tilespmem:s22+$0x0];
	_ =	sdelay $0x3  }
0x30: {  	v4 =	vadd.s32 $0x9C40, v2;
	_ =	sdelay $0x3  }
0x31: {  	v5 =	vld.idx.msk [tilespmem:v3+s2+$0x0], $0xffff  }
0x32: {  	v4 =	vld.idx.msk [tilespmem:v4+s2+$0x0], $0xffff;
	_ =	sdelay $0x4  }
0x33: {  	v4 =	vadd.f32 v4, v5;
	_ =	sdelay $0x1  }
0x34: {  	v5 =	vmul.f32 $2.000000030e-01, v4;
	_ =	sdelay $0x1  }
0x35: {  	v4 =	vmax.f32 v4, v5  }
0x36: {  	v4 =	vmul.f32 $1.442695020e+00, v4;
	_ =	sdelay $0x1  }
0x37: {  	(erf) = vpow2.f32 v4;
	_ =	sdelay $0x3  }
0x38: {  	v4 =	vor.u32 s19, v1  }
0x39: {  	v5 =	vshll.u32 v4, $0x3  }
0x3a: {  	v4 =	vshll.u32 v4, $0x4  }
0x3b: {  	v6 =	vadd.s32 $0x2710, v3  }
0x3c: {  	v7 =	vadd.s32 $0xC350, v2  }
0x3d: {  	v8 =	vpop (erf)  }
0x3e: {  	[tilespmem:v5+s14+$0x0] =	vst.idx.msk $0xffff, v8  }
0x3f: {  	[tilespmem:v4+s15+$0x0] =	vst.idx.msk $0xffff, v8  }
0x40: {  	v6 =	vld.idx.msk [tilespmem:v6+s2+$0x0], $0xffff  }
0x41: {  	v7 =	vld.idx.msk [tilespmem:v7+s2+$0x0], $0xffff;
	_ =	sdelay $0x4  }
0x42: {  	v6 =	vadd.f32 v7, v6;
	_ =	sdelay $0x1  }
0x43: {  	v7 =	vmul.f32 $2.000000030e-01, v6;
	_ =	sdelay $0x1  }
0x44: {  	v6 =	vmax.f32 v6, v7  }
0x45: {  	v6 =	vmul.f32 $1.442695020e+00, v6;
	_ =	sdelay $0x1  }
0x46: {  	(erf) = vpow2.f32 v6;
	_ =	sdelay $0x4  }
0x47: {  	v58 =	vor.u32 $0x1, v5  }
0x48: {  	v59 =	vor.u32 $0x1, v4  }
0x49: {  	v60 =	vadd.s32 $0x4E20, v3  }
0x4a: {  	v9 =	vadd.s32 $0xEA60, v2  }
0x4b: {  	v10 =	vpop (erf)  }
0x4c: {  	[tilespmem:v58+s14+$0x0] =	vst.idx.msk $0xffff, v10  }
0x4d: {  	[tilespmem:v59+s15+$0x0] =	vst.idx.msk $0xffff, v10  }
0x4e: {  	v6 =	vld.idx.msk [tilespmem:v60+s2+$0x0], $0xffff  }
0x4f: {  	v7 =	vld.idx.msk [tilespmem:v9+s2+$0x0], $0xffff;
	_ =	sdelay $0x4  }
0x50: {  	v6 =	vadd.f32 v7, v6;
	_ =	sdelay $0x1  }
0x51: {  	v7 =	vmul.f32 $2.000000030e-01, v6;
	_ =	sdelay $0x1  }
0x52: {  	v6 =	vmax.f32 v6, v7  }
0x53: {  	v6 =	vmul.f32 $1.442695020e+00, v6;
	_ =	sdelay $0x1  }
0x54: {  	(erf) = vpow2.f32 v6;
	_ =	sdelay $0x4  }
0x55: {  	v61 =	vor.u32 $0x2, v5  }
0x56: {  	v62 =	vor.u32 $0x2, v4  }
0x57: {  	v3 =	vadd.s32 $0x7530, v3  }
0x58: {  	v2 =	vadd.s32 $0x11170, v2  }
0x59: {  	v63 =	vpop (erf)  }
0x5a: {  	[tilespmem:v61+s14+$0x0] =	vst.idx.msk $0xffff, v63  }
0x5b: {  	[tilespmem:v62+s15+$0x0] =	vst.idx.msk $0xffff, v63  }
0x5c: {  	v3 =	vld.idx.msk [tilespmem:v3+s2+$0x0], $0xffff  }
0x5d: {  	v2 =	vld.idx.msk [tilespmem:v2+s2+$0x0], $0xffff;
	_ =	sdelay $0x4  }
0x5e: {  	v2 =	vadd.f32 v2, v3;
	_ =	sdelay $0x1  }
0x5f: {  	v3 =	vmul.f32 $2.000000030e-01, v2;
	_ =	sdelay $0x1  }
0x60: {  	v2 =	vmax.f32 v2, v3  }
0x61: {  	v2 =	vmul.f32 $1.442695020e+00, v2;
	_ =	sdelay $0x1  }
0x62: {  	(erf) = vpow2.f32 v2;
	_ =	sdelay $0x4  }
0x63: {  	s24 =	simm.s32 $0x10;
	v3 =	vor.u32 $0x3, v4;
	v2 =	vor.u32 $0x3, v5  }
.LBB2_7:
0x64: {  	_ = 	snop  }
0x65: {  	p0 =	sne.s32 s24, $0x40;
	s22 =	sadd.s32 $0x10, s22;
	s23 =	sadd.s32 $0x10, s23  }
0x66: {  	s25 =	smov.u32 s24;
	s24 =	sadd.s32 $0x10, s24  }
0x67: {  	v4 =	vpop (erf)  }
0x68: {  	[tilespmem:v2+s14+$0x0] =	vst.idx.msk $0xffff, v4  }
0x69: {  	[tilespmem:v3+s15+$0x0] =	vst.idx.msk $0xffff, v4  }
0x6a: {  	v2 =	vld [tilespmem:s23+$0x0]  }
0x6b: {  	v3 =	vld [tilespmem:s22+$0x0];
	_ =	sdelay $0x3  }
0x6c: {  	v4 =	vadd.s32 $0x9C40, v2;
	_ =	sdelay $0x3  }
0x6d: {  	v5 =	vld.idx.msk [tilespmem:v3+s2+$0x0], $0xffff  }
0x6e: {  	v4 =	vld.idx.msk [tilespmem:v4+s2+$0x0], $0xffff;
	_ =	sdelay $0x5  }
0x6f: {  	v4 =	vadd.f32 v4, v5;
	_ =	sdelay $0x1  }
0x70: {  	v5 =	vmul.f32 $2.000000030e-01, v4;
	_ =	sdelay $0x1  }
0x71: {  	v4 =	vmax.f32 v4, v5  }
0x72: {  	v4 =	vmul.f32 $1.442695020e+00, v4;
	_ =	sdelay $0x1  }
0x73: {  	(erf) = vpow2.f32 v4;
	_ =	sdelay $0x3  }
0x74: {  	v4 =	vor.u32 s25, v1  }
0x75: {  	v5 =	vshll.u32 v4, $0x3  }
0x76: {  	v4 =	vshll.u32 v4, $0x4  }
0x77: {  	v6 =	vadd.s32 $0x2710, v3  }
0x78: {  	v7 =	vadd.s32 $0xC350, v2  }
0x79: {  	v8 =	vpop (erf)  }
0x7a: {  	[tilespmem:v5+s14+$0x0] =	vst.idx.msk $0xffff, v8  }
0x7b: {  	[tilespmem:v4+s15+$0x0] =	vst.idx.msk $0xffff, v8  }
0x7c: {  	v6 =	vld.idx.msk [tilespmem:v6+s2+$0x0], $0xffff  }
0x7d: {  	v7 =	vld.idx.msk [tilespmem:v7+s2+$0x0], $0xffff;
	_ =	sdelay $0x5  }
0x7e: {  	v6 =	vadd.f32 v7, v6;
	_ =	sdelay $0x1  }
0x7f: {  	v7 =	vmul.f32 $2.000000030e-01, v6;
	_ =	sdelay $0x1  }
0x80: {  	v6 =	vmax.f32 v6, v7  }
0x81: {  	v6 =	vmul.f32 $1.442695020e+00, v6;
	_ =	sdelay $0x1  }
0x82: {  	(erf) = vpow2.f32 v6;
	_ =	sdelay $0x4  }
0x83: {  	v6 =	vor.u32 $0x1, v5  }
0x84: {  	v7 =	vor.u32 $0x1, v4  }
0x85: {  	v8 =	vadd.s32 $0x4E20, v3  }
0x86: {  	v9 =	vadd.s32 $0xEA60, v2  }
0x87: {  	v10 =	vpop (erf)  }
0x88: {  	[tilespmem:v6+s14+$0x0] =	vst.idx.msk $0xffff, v10  }
0x89: {  	[tilespmem:v7+s15+$0x0] =	vst.idx.msk $0xffff, v10  }
0x8a: {  	v6 =	vld.idx.msk [tilespmem:v8+s2+$0x0], $0xffff  }
0x8b: {  	v7 =	vld.idx.msk [tilespmem:v9+s2+$0x0], $0xffff;
	_ =	sdelay $0x5  }
0x8c: {  	v6 =	vadd.f32 v7, v6;
	_ =	sdelay $0x1  }
0x8d: {  	v7 =	vmul.f32 $2.000000030e-01, v6;
	_ =	sdelay $0x1  }
0x8e: {  	v6 =	vmax.f32 v6, v7  }
0x8f: {  	v6 =	vmul.f32 $1.442695020e+00, v6;
	_ =	sdelay $0x1  }
0x90: {  	(erf) = vpow2.f32 v6;
	_ =	sdelay $0x4  }
0x91: {  	v6 =	vor.u32 $0x2, v5  }
0x92: {  	v7 =	vor.u32 $0x2, v4  }
0x93: {  	v2 =	vadd.s32 $0x11170, v2;
	v3 =	vadd.s32 $0x7530, v3;
	_ =	sdelay $0x1  }
0x94: {  	v8 =	vpop (erf)  }
0x95: {  	[tilespmem:v6+s14+$0x0] =	vst.idx.msk $0xffff, v8  }
0x96: {  	[tilespmem:v7+s15+$0x0] =	vst.idx.msk $0xffff, v8  }
0x97: {  	v3 =	vld.idx.msk [tilespmem:v3+s2+$0x0], $0xffff  }
0x98: {  	v2 =	vld.idx.msk [tilespmem:v2+s2+$0x0], $0xffff;
	_ =	sdelay $0x5  }
0x99: {  	v2 =	vadd.f32 v2, v3;
	_ =	sdelay $0x1  }
0x9a: {  	v3 =	vmul.f32 $2.000000030e-01, v2;
	_ =	sdelay $0x1  }
0x9b: {  	v2 =	vmax.f32 v2, v3  }
0x9c: {  	v2 =	vmul.f32 $1.442695020e+00, v2;
	_ =	sdelay $0x1  }
0x9d: {  	(erf) = vpow2.f32 v2  }
.Ltmp2:
0x9e: {  	(pc) =	sbr.rel @p0 .LBB2_7-.Ltmp2, $3  }
0x9f: {  	_ =	sdelay $0x1  }
0xa0: {  	v2 =	vor.u32 $0x3, v5  }
0xa1: {  	v3 =	vor.u32 $0x3, v4  }
0xa2: {  	_ =	sdelay $0x2  }
0xa3: {  	v4 =	vpop (erf)  }
0xa4: {  	[tilespmem:v2+s14+$0x0] =	vst.idx.msk $0xffff, v4  }
0xa5: {  	s21 =	sadd.s32 s7, s21;
	[tilespmem:v3+s15+$0x0] =	vst.idx.msk $0xffff, v4  }
0xa6: {  	[hbm4b:s21+s2] =	stream.linear.scatter [tilespmem:s14], [sflag:$0x1], $0x280, $0x38;
	[tilespmem:$0x190A0] =	vst v63  }
0xa7: {  	s20 =	sadd.s32 $0x1, s20;
	_ =	swait.ge [sflag:s13], $0x280  }
0xa8: {  	p0 =	sne.s32 s20, $0x7D;
	[sflag:s13] =	ssyncset.done $0x0  }
.Ltmp3:
0xa9: {  	[sflag:s13] =	ssyncadd.s32 $0xFFFFFD80;
	(pc) =	sbr.rel @p0 .LBB2_6-.Ltmp3, $4  }
0xaa: {  	[spmem:s1] =	stream.indirect.scatter.add.f32 [tilespmem:s15], [sflag:$0x1], $0x10, s17, s16, $0xb8;
	[tilespmem:$0x190A0] =	vst v63  }
0xab: {  	_ =	swait.ge [sflag:s13], $0x500  }
0xac: {  	[sflag:s13] =	ssyncset.done $0x0  }
0xad: {  	[sflag:s13] =	ssyncadd.s32 $0xFFFFFB00  }
0xae: {  	s18 =	sadd.s32 $0x1, s18  }
0xaf: {  	s19 =	sshll.u32 s3, $0x6;
	[bflag:$0x0] =	sbarrier.arrive $0xFFFF;
	p0 =	sne.s32 s18, s10  }
.Ltmp4:
0xb0: {  	s20 =	sshrl.u32 s8, $0x3;
	s19 =	sor.u32 $0x1C01, s19;
	(pc) =	sbr.rel @p0 .LBB2_1-.Ltmp4, $4  }
0xb1: {  	[hbm:s11], [sflag:s19] =	dma.local [spmem:s20], $0x500  }
0xb2: {  	_ =	swait.ge [sflag:s13], $0x500  }
0xb3: {  	[sflag:s13] =	ssyncset.done $0x0  }
0xb4: {  	[sflag:s13] =	ssyncadd.s32 $0xFFFFFB00  }
0xb5: {  	_ =	sfence.sel $0x180000  }
0xb6: {  	[bflag:$0x0] =	sbarrier.arrive $0xFFFF  }
0xb7: {  	p0 =	sne.s32 s3, $0x0;
	_ =	strace $0x90000047  }
0xb8: {  	s0 =	sadd.s32 @!p0 $0x100000, s0;
	[bflag:$0x2] =	sbarrier.arrive $0xFFFF  }
0xb9: {  	[sflag:s0] =	ssyncadd.tile.s32 @!p0 $0x1;
	_ =	shalt  }
.Lfunc_end2:
_tile_overlayer_lowered:
.L_overlay_start_2:
0xba: {  	(tag) =	ssettag $0x2  }
0xbb: {  	s0 =	rddreg [dreg:$0x0];
	s2 =	stileid.u32  }
0xbc: {  	s1 =	rddreg [dreg:$0x1];
	p0 =	sne.s32 s2, $0x0  }
0xbd: {  	s3 =	rddreg [dreg:$0x2];
	[bflag:$0x3] =	sbarrier.arrive $0xFFFF;
	s2 =	simm.s32 @!p0 $0x1C01  }
0xbe: {  	[timem:s3], [sflag:s2] =	dma.local @!p0 [hbm:s0], s1  }
0xbf: {  	s0 =	simm.s32 @!p0 $0x1  }
0xc0: {  	_ =	swait.ge @!p0 [sflag:s0], s1  }
0xc1: {  	s1 =	ssub.s32 @!p0 $0x0, s1;
	[sflag:s0] =	ssyncset.done @!p0 $0x0  }
0xc2: {  	[sflag:s0] =	ssyncadd.s32 @!p0 s1  }
0xc3: {  	[bflag:$0x3] =	sbarrier.arrive $0xFFFF  }
0xc4: {  	_ =	shalt  }

// kernel: kernel.9.cloned.1.call-start
scs
__scs_entry_jumppad:
0x0: {  	(pc) =	sbr.rel $0x88, $3  }
0x1: {  	(tag) =	ssettag $0x0;
	lr =	simm.s32 $0x1  }
0x2: {  	[smem:$0x3F99] =	sst lr;
	_ =	strace $0xD0000000  }
0x3: {  	_ = 	snop  }
0x4: {  	_ = 	snop  }
0x5: {  	_ = 	snop  }
0x6: {  	_ = 	snop  }
0x7: {  	_ = 	snop  }
__scs_overlays_trampoline_lowered:
0x8: {  	[smem:$0x3FA8] =	sst s0  }
0x9: {  	[smem:$0x3FA9] =	sst s1  }
0xa: {  	[smem:$0x3FAA] =	sst s2  }
0xb: {  	[smem:$0x3FAB] =	sst s3  }
0xc: {  	[smem:$0x3FAC] =	sst s4  }
0xd: {  	[smem:$0x3FAD] =	sst s5  }
0xe: {  	[smem:$0x3FAE] =	sst s6  }
0xf: {  	[smem:$0x3FAF] =	sst s7  }
0x10: {  	[smem:$0x3FB0] =	sst s8  }
0x11: {  	[smem:$0x3FB1] =	sst s9;
	s0 =	simm.s32 @!p0 $0x0  }
0x12: {  	s1 =	sld [smem:$0x3F97];
	s0 =	simm.s32 @p0 $0x1  }
0x13: {  	[smem:$0x3FB2] =	sst s0;
	s0 =	simm.s32 @!p1 $0x0  }
0x14: {  	s2 =	sld [smem:$0x3F96];
	s0 =	simm.s32 @p1 $0x1  }
0x15: {  	[smem:$0x3FB3] =	sst s0;
	s0 =	simm.s32 @!p2 $0x0  }
0x16: {  	s3 =	sld [smem:$0x3FDB];
	s0 =	simm.s32 @p2 $0x1  }
0x17: {  	s4 =	simm.s32 $0x1BF5;
	[smem:$0x3FB5] =	sst s0  }
0x18: {  	s0 =	sld [smem:$0x3F98];
	_ =	swait.ge [sflag:s4], $0x0  }
0x19: {  	s7 =	sld [smem:$0x3F99]  }
0x1a: {  	s8 =	sadd.s32 $0xFFFFE003, lr  }
0x1b: {  	s9 =	sadd.s32 $0xFFFFFEF7, lr;
	s5 =	simm.s32 $0xFFFFFFFF;
	p2 =	slt.u32 s8, $0xFFFFF086  }
0x1c: {  	p1 =	slt.u32 s9, $0xF7A;
	s5 =	simm.s32 @!p2 $0x0  }
0x1d: {  	s5 =	simm.s32 @p1 $0x1;
	p0 =	seq.s32 s7, s2  }
0x1e: {  	s7 =	smul.u32 @!p0 $0xF7A, s2;
	p2 =	seq.s32 @!p0 s5, $0x0  }
0x1f: {  	s9 =	smul.u32 $0xF7A, s1;
	s8 =	simm.s32 @!p0 $0x1BF5;
	p2 =	por !p2, p0  }
0x20: {  	[sflag:s8] =	ssyncset.s32 @!p0 $0xFFFFF086;
	s6 =	sadd.s32 @!p0 s3, s7;
	s7 =	simm.s32 @!p0 $0x108  }
0x21: {  	s3 =	sadd.s32 s3, s9;
	s6 =	sadd.s32 @!p0 $0x88, s6;
	s7 =	simm.s32 @p2 $0x1082  }
0x22: {  	[simem:s7], [sflag:s8] =	dma.local @!p0 [hbm:s6], $0xF7A  }
0x23: {  	s9 =	sor.u32 $0xD0000000, s2;
	s6 =	simm.s32 $0x108;
	_ =	swait.ge @!p0 [sflag:s8], $0x0  }
0x24: {  	s3 =	sadd.s32 $0x88, s3;
	s6 =	simm.s32 @!p1 $0x1082;
	[sflag:s4] =	ssyncset.s32 $0xFFFFF086  }
0x25: {  	[simem:s6], [sflag:s4] =	dma.local [hbm:s3], $0xF7A  }
0x26: {  	[smem:$0x3F99] =	sst s1;
	(tag) =	ssettag s2;
	_ =	strace s9  }
0x27: {  	s1 =	sld [smem:$0x3FA9]  }
0x28: {  	s2 =	sld [smem:$0x3FAA]  }
0x29: {  	s4 =	sld [smem:$0x3FAC]  }
0x2a: {  	p0 =	seq.s32 s5, $0x0;
	s5 =	sld [smem:$0x3FAD]  }
0x2b: {  	s6 =	sld [smem:$0x3FAE]  }
0x2c: {  	s7 =	sld [smem:$0x3FAF]  }
0x2d: {  	s3 =	simm.s32 $0x108;
	s8 =	sld [smem:$0x3FB0]  }
0x2e: {  	s3 =	simm.s32 @!p0 $0x1082;
	s9 =	sld [smem:$0x3FB1]  }
0x2f: {  	lr =	sadd.s32 s0, s3;
	s0 =	sld [smem:$0x3FA8]  }
0x30: {  	s3 =	sld [smem:$0x3FAB]  }
0x31: {  	[smem:$0x3FB4] =	sst s10  }
0x32: {  	s10 =	sld [smem:$0x3FB2];
	_ =	sdelay $0x3  }
0x33: {  	p0 =	seq.s32 s10, $0x1;
	s10 =	sld [smem:$0x3FB4];
	_ =	sdelay $0x3  }
0x34: {  	[smem:$0x3FB4] =	sst s10  }
0x35: {  	s10 =	sld [smem:$0x3FB3];
	_ =	sdelay $0x3  }
0x36: {  	p1 =	seq.s32 s10, $0x1;
	s10 =	sld [smem:$0x3FB4];
	_ =	sdelay $0x3  }
0x37: {  	[smem:$0x3FB4] =	sst s10  }
0x38: {  	s10 =	sld [smem:$0x3FB5]  }
0x39: {  	_ = 	snop;
	(pc) =	sbr.ind lr, $3  }
0x3a: {  	_ = 	snop  }
0x3b: {  	_ = 	snop  }
0x3c: {  	p2 =	seq.s32 s10, $0x1;
	s10 =	sld [smem:$0x3FB4]  }
0x3d: {  	_ =	shalt  }
0x3e: {  	_ =	shalt  }
0x3f: {  	_ =	shalt  }
0x40: {  	_ =	shalt  }
0x41: {  	_ =	shalt  }
0x42: {  	_ =	shalt  }
0x43: {  	_ =	shalt  }
0x44: {  	_ =	shalt  }
0x45: {  	_ =	shalt  }
0x46: {  	_ =	shalt  }
0x47: {  	_ =	shalt  }
0x48: {  	_ =	shalt  }
0x49: {  	_ =	shalt  }
0x4a: {  	_ =	shalt  }
0x4b: {  	_ =	shalt  }
0x4c: {  	_ =	shalt  }
0x4d: {  	_ =	shalt  }
0x4e: {  	_ =	shalt  }
0x4f: {  	_ =	shalt  }
0x50: {  	_ =	shalt  }
0x51: {  	_ =	shalt  }
0x52: {  	_ =	shalt  }
0x53: {  	_ =	shalt  }
0x54: {  	_ =	shalt  }
0x55: {  	_ =	shalt  }
0x56: {  	_ =	shalt  }
0x57: {  	_ =	shalt  }
0x58: {  	_ =	shalt  }
0x59: {  	_ =	shalt  }
0x5a: {  	_ =	shalt  }
0x5b: {  	_ =	shalt  }
0x5c: {  	_ =	shalt  }
0x5d: {  	_ =	shalt  }
0x5e: {  	_ =	shalt  }
0x5f: {  	_ =	shalt  }
0x60: {  	_ =	shalt  }
0x61: {  	_ =	shalt  }
0x62: {  	_ =	shalt  }
0x63: {  	_ =	shalt  }
0x64: {  	_ =	shalt  }
0x65: {  	_ =	shalt  }
0x66: {  	_ =	shalt  }
0x67: {  	_ =	shalt  }
0x68: {  	_ =	shalt  }
0x69: {  	_ =	shalt  }
0x6a: {  	_ =	shalt  }
0x6b: {  	_ =	shalt  }
0x6c: {  	_ =	shalt  }
0x6d: {  	_ =	shalt  }
0x6e: {  	_ =	shalt  }
0x6f: {  	_ =	shalt  }
0x70: {  	_ =	shalt  }
0x71: {  	_ =	shalt  }
0x72: {  	_ =	shalt  }
0x73: {  	_ =	shalt  }
0x74: {  	_ =	shalt  }
0x75: {  	_ =	shalt  }
0x76: {  	_ =	shalt  }
0x77: {  	_ =	shalt  }
0x78: {  	_ =	shalt  }
0x79: {  	_ =	shalt  }
0x7a: {  	_ =	shalt  }
0x7b: {  	_ =	shalt  }
0x7c: {  	_ =	shalt  }
0x7d: {  	_ =	shalt  }
0x7e: {  	_ =	shalt  }
0x7f: {  	_ =	shalt  }
0x80: {  	_ =	shalt  }
0x81: {  	_ =	shalt  }
0x82: {  	_ =	shalt  }
0x83: {  	_ =	shalt  }
0x84: {  	_ =	shalt  }
0x85: {  	_ =	shalt  }
0x86: {  	_ =	shalt  }
0x87: {  	_ =	shalt  }
.Lfunc_end0:
.L_simem_size_0:
called_computation.1_lowered:
.L_overlay_start_0:
0x88: {  	s2 =	sld [smem:$0x3FD9]  }
0x89: {  	s3 =	sld [smem:$0x3FFE];
	_ =	sdelay $0x1  }
0x8a: {  	s1 =	srdreg.scid  }
0x8b: {  	s0 =	sand.u32 $0x1, s1  }
0x8c: {  	s17 =	sshll.u32 s0, $0xA;
	s2 =	sadd.s32 s3, s2  }
0x8d: {  	s2 =	sadd.s32 s2, s17  }
0x8e: {  	[smem:$0x3FC0] =	sst s2  }
0x8f: {  	_ = 	snop  }
0x90: {  	s2 =	sld [smem:$0x3FD0];
	(tm) =	ssettm $0x1  }
0x91: {  	s18 =	sld [smem:$0x3FFB];
	_ =	sdelay $0x3  }
0x92: {  	_ =	strace s18  }
0x93: {  	s3 =	sld [smem:$0x3FFC];
	_ =	sdelay $0x3  }
0x94: {  	_ =	strace s3  }
0x95: {  	s3 =	sld [smem:$0x3FFD];
	_ =	sdelay $0x3  }
0x96: {  	_ =	strace s3  }
0x97: {  	_ =	strace $0x8FFFFFFF  }
0x98: {  	s19 =	sld [smem:$0x3FDB];
	_ =	sdelay $0x1  }
0x99: {  	s4 =	simm.s32 $_scs_section_size  }
0x9a: {  	s5 =	simm.s32 $_size__tile_overlayer_lowered;
	s6 =	simm.s32 $_tile_overlayer_lowered  }
0x9b: {  	s22 =	simm.s32 $0x1BFF;
	s21 =	sshll.u32 s6, $0x1;
	s3 =	sadd.s32 s4, s19  }
0x9c: {  	s7 =	simm.s32 $0x0;
	s20 =	sshll.u32 s5, $0x1;
	s5 =	sadd.s32 s21, s3  }
0x9d: {  	[timem:s7], [sflag:s22] =	dma.local [hbm:s5], s20  }
0x9e: {  	_ =	swait.ge [sflag:s22], s20  }
0x9f: {  	s4 =	ssub.s32 $0x0, s20;
	[sflag:s22] =	ssyncset.done $0x0  }
0xa0: {  	[sflag:s22] =	ssyncadd.s32 s4;
	_ =	sdelay $0x1  }
0xa1: {  	s23 =	simm.s32 $0x1B8B  }
0xa2: {  	_ =	swait.ge [sflag:s23], $0x1  }
0xa3: {  	[sflag:s23] =	ssyncset.done $0x0  }
0xa4: {  	s25 =	simm.s32 $0x1B8E;
	s24 =	sld [smem:$0x3FFE];
	[sflag:s23] =	ssyncadd.s32 $0xFFFFFFFF  }
0xa5: {  	s26 =	simm.s32 $execute0_lowered;
	[smem:$0x3FD2] =	sst s25  }
0xa6: {  	s5 =	sshll.u32 s26, $0x1;
	_ =	strace $0x80000049;
	[dreg:$0x1] =	wrdreg $0xFFFFFFFF  }
0xa7: {  	s28 =	simm.s32 $_size_execute0_lowered;
	s3 =	sadd.s32 s3, s5;
	[dreg:$0x0] =	wrdreg $0x0  }
0xa8: {  	s5 =	sshll.u32 s28, $0x1;
	[dreg:$0x2] =	wrdreg s3  }
0xa9: {  	[dreg:$0x3] =	wrdreg s5  }
0xaa: {  	[dreg:$0x4] =	wrdreg $0xC0  }
0xab: {  	_ =	task [dreg:s7], $0x5FFFF  }
0xac: {  	[dreg:$0x1] =	wrdreg $0xFFFFFFFF  }
0xad: {  	[dreg:$0x0] =	wrdreg $0x60  }
0xae: {  	[dreg:$0x2] =	wrdreg s24  }
0xaf: {  	[dreg:$0x3] =	wrdreg s2  }
0xb0: {  	[dreg:$0x4] =	wrdreg $0x3F800  }
0xb1: {  	[dreg:$0x5] =	wrdreg $0x9  }
0xb2: {  	_ =	task.clear_ibuf [dreg:s7], $0x6FFFF;
	_ =	strace $0x90000049  }
0xb3: {  	s29 =	simm.s32 $0x9;
	_ =	strace $0x8000004B  }
0xb4: {  	_ =	swait.ge [sflag:s29], $0x1  }
0xb5: {  	[sflag:s29] =	ssyncadd.s32 $0xFFFFFFFF  }
0xb6: {  	_ =	strace $0x9000004B  }
0xb7: {  	_ =	sfence  }
0xb8: {  	s30 =	sld [smem:$0x0];
	_ =	sdelay $0x2  }
0xb9: {  	s31 =	sshll.u32 s1, $0xD;
	s1 =	sshrl.u32 s1, $0x2  }
0xba: {  	s3 =	sand.u32 $0x4000, s31;
	s1 =	sadd.s32 s1, s30  }
0xbb: {  	s0 =	sor.u32 s3, s0;
	s1 =	sshll.u32 s1, $0x11  }
0xbc: {  	s0 =	sor.u32 s1, s0  }
0xbd: {  	s0 =	sadd.s32 $0x8F2B, s0  }
0xbe: {  	[sflag:s0] =	ssyncadd.remote.s32 $0x1  }
0xbf: {  	_ =	sfence.sel $0xFFFF  }
0xc0: {  	[dreg:$0x0] =	wrdreg $0xFFFFFFFF;
	(pc) =	sbr.abs _section_cstart, $3  }
0xc1: {  	[dreg:$0x1] =	wrdreg $0xFFFFFFFF  }
0xc2: {  	_ =	task.clear_ibuf [dreg:s7], $0x2FFFF;
	_ =	strace $0x9FFFFFFF  }
0xc3: {  	(tm) =	ssettm $0x7FFFFFFF  }
tec
execute0_lowered:
.L_overlay_start_1:
0x0: {  	(tag) =	ssettag $0x1  }
0x1: {  	s0 =	rddreg [dreg:$0x0]  }
0x2: {  	s1 =	rddreg [dreg:$0x1]  }
0x3: {  	s2 =	rddreg [dreg:$0x2];
	s4 =	simm.s32 $0x0;
	s12 =	stileid.u32  }
0x4: {  	s3 =	srdreg.scid;
	s29 =	simm.s32 $0x2F80;
	s7 =	smul.u32 $0x28000, s12  }
0x5: {  	s30 =	simm.s32 $0x3;
	s31 =	simm.s32 $0xA0;
	s10 =	smul.u32 $0xA000, s12  }
0x6: {  	[smem:$0x7FF] =	sst s4;
	s3 =	sand.u32 $0x1, s3;
	s12 =	smul.u32 $0x4E20, s12  }
0x7: {  	s5 =	sadd.s32 $0xE600, s0;
	s6 =	sadd.s32 $0x4800, s0;
	_ =	strace $0x8000004A  }
0x8: {  	s8 =	ssub.s32 $0x2, s3;
	p0 =	seq.s32 s3, $0x1;
	s20 =	sshrl.u32 s12, $0x3  }
0x9: {  	s9 =	sshrl.u32 s8, $0x1;
	s11 =	sshrl.u32 s7, $0x2;
	s21 =	sadd.s32 s5, s20  }
0xa: {  	s11 =	sadd.s32 s11, s2;
	s23 =	sadd.s32 s6, s20;
	[dreg:$0xd] =	wrdreg s21  }
0xb: {  	s7 =	sadd.s32 $0x22400, s0;
	s13 =	sadd.s32 $0x1000, s11;
	[dreg:$0xe] =	wrdreg s23  }
0xc: {  	s22 =	sadd.s32 $0x50, s12;
	s26 =	sadd.s32 $0x2000, s11;
	[dreg:$0x4] =	wrdreg s13  }
0xd: {  	s9 =	ssub.s32 s8, s9;
	s14 =	sadd.s32 $0x3000, s11;
	[dreg:$0x5] =	wrdreg s26  }
0xe: {  	s8 =	sadd.s32 s10, s2;
	s15 =	sadd.s32 $0x4000, s11;
	[dreg:$0x6] =	wrdreg s14  }
0xf: {  	s10 =	sshrl.u32 s10, $0x3;
	s16 =	sadd.s32 $0x5000, s11;
	[dreg:$0x7] =	wrdreg s15  }
0x10: {  	s24 =	sshrl.u32 s22, $0x3;
	s17 =	sadd.s32 $0x6000, s11;
	[dreg:$0x8] =	wrdreg s16  }
0x11: {  	v0 =	vlaneseq.u32;
	s18 =	sadd.s32 $0x7000, s11;
	s19 =	sadd.s32 $0x8000, s11;
	[dreg:$0x9] =	wrdreg s17  }
0x12: {  	v7 =	vmul.u32 $0x8, v0;
	v13 =	vor.u32 $0x10, v0;
	v14 =	vmul.u32 $0x2, v0;
	s11 =	sadd.s32 $0x9000, s11;
	s25 =	sadd.s32 s5, s24;
	[dreg:$0xa] =	wrdreg s18  }
0x13: {  	v15 =	vor.u32 $0x20, v0;
	v16 =	vor.u32 $0x30, v0;
	v17 =	vor.u32 $0x40, v0;
	s28 =	smax.u32 s9, $0x1;
	s9 =	simm.s32 $0x50;
	[dreg:$0xb] =	wrdreg s19  }
0x14: {  	v1 =	vmov s3;
	v8 =	vor.u32 $0x80, v7;
	v9 =	vor.u32 $0x100, v7;
	s14 =	sshllo.u32 s3, $0x1;
	s15 =	sshll.u32 s3, $0x1;
	[dreg:$0xc] =	wrdreg s11  }
0x15: {  	v10 =	vor.u32 $0x180, v7;
	v12 =	vor.u32 $0x200, v7;
	v18 =	vor.u32 $0x1, v14;
	s3 =	simm.s32 $0x70600;
	[dreg:$0x10] =	wrdreg s25;
	s26 =	sadd.s32 s7, s22  }
0x16: {  	v19 =	vor.u32 $0x20, v14;
	v20 =	vor.u32 $0x21, v14;
	v21 =	vor.u32 $0x40, v14;
	s25 =	sadd.s32 $0xA0, s12;
	s11 =	simm.s32 $0xF0;
	s13 =	simm.s32 $0x190  }
0x17: {  	v22 =	vor.u32 $0x41, v14;
	v23 =	vor.u32 $0x60, v14;
	v24 =	vor.u32 $0x61, v14;
	s16 =	simm.s32 $0x2EE0;
	s17 =	simm.s32 $0x0;
	s3 =	simm.s32 @!p0 $0x84600  }
.Ltmp0:
0x18: {  	v25 =	vor.u32 $0x80, v14;
	v26 =	vor.u32 $0x81, v14;
	v2 =	vmov s14;
	[dreg:$0x12] =	wrdreg s26;
	s26 =	sadd.s32 $0xF0, s12;
	(pc) =	sbr.rel .LBB2_1-.Ltmp0, $4  }
0x19: {  	v3 =	vor.u32 s15, v8;
	v4 =	vor.u32 s15, v9;
	s14 =	simm.s32 $0x1AE0;
	v11 =	vbroadcast v2, $0x0;
	s0 =	sadd.s32 s3, s0;
	s3 =	simm.s32 $0x140  }
0x1a: {  	v5 =	vor.u32 s15, v10;
	v6 =	vor.u32 s15, v12;
	v2 =	vor.u32 s15, v7;
	s15 =	simm.s32 $0x2;
	s0 =	sadd.s32 s0, s10;
	s10 =	simm.s32 $0x6E0  }
0x1b: {  	[dreg:$0xf] =	wrdreg s0;
	s0 =	sadd.s32 s6, s24;
	v7 =	vor.u32 v7, v11;
	v8 =	vor.u32 v8, v11;
	s24 =	sadd.s32 s7, s12;
	v9 =	vor.u32 v9, v11  }
0x1c: {  	v10 =	vor.u32 v10, v11;
	v11 =	vor.u32 v12, v11;
	v12 =	vimm.f32 $0.0e+00;
	s12 =	simm.s32 $0x460;
	[dreg:$0x11] =	wrdreg s0;
	s0 =	simm.s32 $0x1E0  }
.LBB2_10:
0x1d: {  	s18 =	stileid.u32;
	[bflag:$0x0] =	sbarrier.arrive $0xFFFF;
	s17 =	sadd.s32 $0x1, s17  }
0x1e: {  	s19 =	sshrl.u32 s8, $0x3;
	s18 =	sshll.u32 s18, $0x6;
	p0 =	sne.s32 s17, s28  }
.Ltmp1:
0x1f: {  	s20 =	rddreg [dreg:$0xf];
	s18 =	sor.u32 $0x1C03, s18;
	(pc) =	sbr.rel @!p0 .LBB2_11-.Ltmp1, $4  }
0x20: {  	[hbm:s20], [sflag:s18] =	dma.local [spmem:s19], $0x1400  }
0x21: {  	_ =	swait.ge [sflag:s30], $0x1400  }
0x22: {  	[sflag:s30] =	ssyncset.done $0x0  }
0x23: {  	[sflag:s30] =	ssyncadd.s32 $0xFFFFEC00  }
.LBB2_1:
0x24: {  	s19 =	simm.s32 $0x100;
	s18 =	simm.s32 $0x0  }
.LBB2_2:
0x25: {  	p0 =	sne.s32 s19, $0x3F00;
	[tilespmem:s18+$0x2FB0] =	vst v12;
	s20 =	smov.u32 s19;
	s19 =	sadd.s32 $0x100, s19  }
.Ltmp2:
0x26: {  	[tilespmem:s18+$0x2FA0] =	vst v12;
	(pc) =	sbr.rel @p0 .LBB2_2-.Ltmp2, $3  }
0x27: {  	[tilespmem:s18+$0x2F80] =	vst v12  }
0x28: {  	[tilespmem:s18+$0x2F90] =	vst v12;
	_ =	sdelay $0x1  }
0x29: {  	s18 =	sshra.s32 s20, $0x2  }
0x2a: {  	[tilespmem:s18+$0x2FB0] =	vst v12  }
0x2b: {  	[tilespmem:s18+$0x2FA0] =	vst v12  }
0x2c: {  	[tilespmem:s18+$0x2F80] =	vst v12  }
0x2d: {  	[tilespmem:s18+$0x2F90] =	vst v12  }
0x2e: {  	[spmem:s8] =	stream.linear.scatter [tilespmem:s29], [sflag:$0x3], $0x1000, $0x38;
	[tilespmem:$0xDF80] =	vst v63  }
0x2f: {  	_ =	swait.ge [sflag:s30], $0x1000  }
0x30: {  	[sflag:s30] =	ssyncset.done $0x0  }
0x31: {  	s21 =	rddreg [dreg:$0x4];
	[sflag:s30] =	ssyncadd.s32 $0xFFFFF000  }
0x32: {  	[spmem:s21] =	stream.linear.scatter [tilespmem:s29], [sflag:$0x3], $0x1000, $0x38;
	[tilespmem:$0xDF80] =	vst v63  }
0x33: {  	_ =	swait.ge [sflag:s30], $0x1000  }
0x34: {  	[sflag:s30] =	ssyncset.done $0x0  }
0x35: {  	s22 =	rddreg [dreg:$0x5];
	[sflag:s30] =	ssyncadd.s32 $0xFFFFF000  }
0x36: {  	[spmem:s22] =	stream.linear.scatter [tilespmem:s29], [sflag:$0x3], $0x1000, $0x38;
	[tilespmem:$0xDF80] =	vst v63  }
0x37: {  	_ =	swait.ge [sflag:s30], $0x1000  }
0x38: {  	[sflag:s30] =	ssyncset.done $0x0  }
0x39: {  	s23 =	rddreg [dreg:$0x6];
	[sflag:s30] =	ssyncadd.s32 $0xFFFFF000  }
0x3a: {  	[spmem:s23] =	stream.linear.scatter [tilespmem:s29], [sflag:$0x3], $0x1000, $0x38;
	[tilespmem:$0xDF80] =	vst v63  }
0x3b: {  	_ =	swait.ge [sflag:s30], $0x1000  }
0x3c: {  	[sflag:s30] =	ssyncset.done $0x0  }
0x3d: {  	s19 =	rddreg [dreg:$0x7];
	[sflag:s30] =	ssyncadd.s32 $0xFFFFF000  }
0x3e: {  	[spmem:s19] =	stream.linear.scatter [tilespmem:s29], [sflag:$0x3], $0x1000, $0x38;
	[tilespmem:$0xDF80] =	vst v63  }
0x3f: {  	_ =	swait.ge [sflag:s30], $0x1000  }
0x40: {  	[sflag:s30] =	ssyncset.done $0x0  }
0x41: {  	s20 =	rddreg [dreg:$0x8];
	[sflag:s30] =	ssyncadd.s32 $0xFFFFF000  }
0x42: {  	[spmem:s20] =	stream.linear.scatter [tilespmem:s29], [sflag:$0x3], $0x1000, $0x38;
	[tilespmem:$0xDF80] =	vst v63  }
0x43: {  	_ =	swait.ge [sflag:s30], $0x1000  }
0x44: {  	[sflag:s30] =	ssyncset.done $0x0  }
0x45: {  	s21 =	rddreg [dreg:$0x9];
	[sflag:s30] =	ssyncadd.s32 $0xFFFFF000  }
0x46: {  	[spmem:s21] =	stream.linear.scatter [tilespmem:s29], [sflag:$0x3], $0x1000, $0x38;
	[tilespmem:$0xDF80] =	vst v63  }
0x47: {  	_ =	swait.ge [sflag:s30], $0x1000  }
0x48: {  	[sflag:s30] =	ssyncset.done $0x0  }
0x49: {  	s22 =	rddreg [dreg:$0xa];
	[sflag:s30] =	ssyncadd.s32 $0xFFFFF000  }
0x4a: {  	[spmem:s22] =	stream.linear.scatter [tilespmem:s29], [sflag:$0x3], $0x1000, $0x38;
	[tilespmem:$0xDF80] =	vst v63  }
0x4b: {  	_ =	swait.ge [sflag:s30], $0x1000  }
0x4c: {  	[sflag:s30] =	ssyncset.done $0x0  }
0x4d: {  	s23 =	rddreg [dreg:$0xb];
	[sflag:s30] =	ssyncadd.s32 $0xFFFFF000  }
0x4e: {  	[spmem:s23] =	stream.linear.scatter [tilespmem:s29], [sflag:$0x3], $0x1000, $0x38;
	[tilespmem:$0xDF80] =	vst v63  }
0x4f: {  	_ =	swait.ge [sflag:s30], $0x1000  }
0x50: {  	[sflag:s30] =	ssyncset.done $0x0  }
0x51: {  	s19 =	rddreg [dreg:$0xc];
	[sflag:s30] =	ssyncadd.s32 $0xFFFFF000  }
0x52: {  	[spmem:s19] =	stream.linear.scatter [tilespmem:s29], [sflag:$0x3], $0x1000, $0x38;
	[tilespmem:$0xDF80] =	vst v63  }
0x53: {  	_ =	swait.ge [sflag:s30], $0x1000  }
0x54: {  	[sflag:s30] =	ssyncset.done $0x0  }
0x55: {  	[sflag:s30] =	ssyncadd.s32 $0xFFFFF000  }
0x56: {  	[bflag:$0x0] =	sbarrier.arrive $0xFFFF  }
0x57: {  	s18 =	simm.s32 $0x0;
	s19 =	rddreg [dreg:$0xd]  }
0x58: {  	[tilespmem:s18], [sflag:$0x3] =	stream.linear.gather [hbm4b:s19+s18], $0x50, $0x38;
	[tilespmem:$0xDF80] =	vst v63  }
0x59: {  	_ =	swait.ge [sflag:s30], $0x50  }
0x5a: {  	[sflag:s30] =	ssyncset.done $0x0  }
0x5b: {  	s20 =	rddreg [dreg:$0xe];
	[sflag:s30] =	ssyncadd.s32 $0xFFFFFFB0  }
0x5c: {  	[tilespmem:s31], [sflag:$0x3] =	stream.linear.gather [hbm4b:s20+s18], $0x50, $0x38;
	[tilespmem:$0xDF80] =	vst v63  }
0x5d: {  	_ =	swait.ge [sflag:s30], $0x50  }
0x5e: {  	[sflag:s30] =	ssyncset.done $0x0  }
0x5f: {  	[sflag:s30] =	ssyncadd.s32 $0xFFFFFFB0  }
0x60: {  	[tilespmem:s0], [sflag:$0x3] =	stream.linear.gather [hbm4b:s24+s18], $0x280, $0x38;
	[tilespmem:$0xDF80] =	vst v63  }
0x61: {  	_ =	swait.ge [sflag:s30], $0x280  }
0x62: {  	[sflag:s30] =	ssyncset.done $0x0  }
0x63: {  	[sflag:s30] =	ssyncadd.s32 $0xFFFFFD80  }
0x64: {  	v27 =	vld [tilespmem:$0x0];
	_ =	sdelay $0x4  }
0x65: {  	v27 =	vshll.u32 v27, $0x1  }
0x66: {  	v27 =	vor.u32 v1, v27  }
0x67: {  	[tilespmem:v0+s3+$0x0] =	vst.idx.msk $0xffff, v27  }
0x68: {  	v27 =	vld [tilespmem:$0x10];
	_ =	sdelay $0x4  }
0x69: {  	v27 =	vshll.u32 v27, $0x1  }
0x6a: {  	v27 =	vor.u32 v1, v27  }
0x6b: {  	[tilespmem:v13+s3+$0x0] =	vst.idx.msk $0xffff, v27  }
0x6c: {  	v27 =	vld [tilespmem:$0x20];
	_ =	sdelay $0x4  }
0x6d: {  	v27 =	vshll.u32 v27, $0x1  }
0x6e: {  	v27 =	vor.u32 v1, v27  }
0x6f: {  	[tilespmem:v15+s3+$0x0] =	vst.idx.msk $0xffff, v27  }
0x70: {  	v27 =	vld [tilespmem:$0x30];
	_ =	sdelay $0x4  }
0x71: {  	v27 =	vshll.u32 v27, $0x1  }
0x72: {  	v27 =	vor.u32 v1, v27  }
0x73: {  	[tilespmem:v16+s3+$0x0] =	vst.idx.msk $0xffff, v27  }
0x74: {  	v27 =	vld [tilespmem:$0x40];
	_ =	sdelay $0x4  }
0x75: {  	v27 =	vshll.u32 v27, $0x1  }
0x76: {  	v27 =	vor.u32 v1, v27  }
0x77: {  	[tilespmem:v17+s3+$0x0] =	vst.idx.msk $0xffff, v27  }
0x78: {  	[tilespmem:s10], [sflag:$0x2] =	stream.indirect.gather [hbm4b:s1+s9], $0x40, s3, s9, $0xb8;
	[tilespmem:$0xDF80] =	vst v63  }
0x79: {  	s21 =	rddreg [dreg:$0x10]  }
0x7a: {  	[tilespmem:s9], [sflag:$0x1] =	stream.linear.gather [hbm4b:s21+s18], $0x50, $0x38;
	[tilespmem:$0xDF80] =	vst v63  }
0x7b: {  	s22 =	rddreg [dreg:$0x11]  }
0x7c: {  	[tilespmem:s11], [sflag:$0x1] =	stream.linear.gather [hbm4b:s22+s18], $0x50, $0x38;
	[tilespmem:$0xDF80] =	vst v63  }
0x7d: {  	s23 =	rddreg [dreg:$0x12]  }
0x7e: {  	[tilespmem:s12], [sflag:$0x1] =	stream.linear.gather [hbm4b:s23+s18], $0x280, $0x38;
	[tilespmem:$0xDF80] =	vst v63  }
.LBB2_4:
0x7f: {  	s20 =	simm.s32 $0x1  }
0x80: {  	_ =	swait.ge [sflag:s20], $0x50  }
0x81: {  	[sflag:s20] =	ssyncset.done $0x0  }
0x82: {  	[sflag:s20] =	ssyncadd.s32 $0xFFFFFFB0  }
0x83: {  	_ =	swait.ge [sflag:s20], $0x50  }
0x84: {  	[sflag:s20] =	ssyncset.done $0x0  }
0x85: {  	[sflag:s20] =	ssyncadd.s32 $0xFFFFFFB0  }
0x86: {  	_ =	swait.ge [sflag:s20], $0x280  }
0x87: {  	[sflag:s20] =	ssyncset.done $0x0  }
0x88: {  	[sflag:s20] =	ssyncadd.s32 $0xFFFFFD80  }
0x89: {  	v27 =	vld [tilespmem:$0x50];
	_ =	sdelay $0x4  }
0x8a: {  	v27 =	vshll.u32 v27, $0x1  }
0x8b: {  	v27 =	vor.u32 v1, v27  }
0x8c: {  	[tilespmem:v0+s13+$0x0] =	vst.idx.msk $0xffff, v27  }
0x8d: {  	v27 =	vld [tilespmem:$0x60];
	_ =	sdelay $0x4  }
0x8e: {  	v27 =	vshll.u32 v27, $0x1  }
0x8f: {  	v27 =	vor.u32 v1, v27  }
0x90: {  	[tilespmem:v13+s13+$0x0] =	vst.idx.msk $0xffff, v27  }
0x91: {  	v27 =	vld [tilespmem:$0x70];
	_ =	sdelay $0x4  }
0x92: {  	v27 =	vshll.u32 v27, $0x1  }
0x93: {  	v27 =	vor.u32 v1, v27  }
0x94: {  	[tilespmem:v15+s13+$0x0] =	vst.idx.msk $0xffff, v27  }
0x95: {  	v27 =	vld [tilespmem:$0x80];
	_ =	sdelay $0x4  }
0x96: {  	v27 =	vshll.u32 v27, $0x1  }
0x97: {  	v27 =	vor.u32 v1, v27  }
0x98: {  	[tilespmem:v16+s13+$0x0] =	vst.idx.msk $0xffff, v27  }
0x99: {  	v27 =	vld [tilespmem:$0x90];
	_ =	sdelay $0x4  }
0x9a: {  	v27 =	vshll.u32 v27, $0x1  }
0x9b: {  	v27 =	vor.u32 v1, v27  }
0x9c: {  	[tilespmem:v17+s13+$0x0] =	vst.idx.msk $0xffff, v27  }
0x9d: {  	[tilespmem:s14], [sflag:$0x2] =	stream.indirect.gather [hbm4b:s1+s9], $0x40, s13, s9, $0xb8;
	[tilespmem:$0xDF80] =	vst v63  }
0x9e: {  	_ =	swait.ge [sflag:s15], $0x1400  }
0x9f: {  	[sflag:s15] =	ssyncset.done $0x0  }
0xa0: {  	[sflag:s15] =	ssyncadd.s32 $0xFFFFEC00  }
0xa1: {  	v27 =	vld.idx.msk [tilespmem:v2+s0+$0x0], $0xffff;
	_ =	sdelay $0x4  }
0xa2: {  	[tilespmem:v14+s16+$0x0] =	vst.idx.msk $0xffff, v27  }
0xa3: {  	v27 =	vld.idx.msk [tilespmem:v7+s0+$0x0], $0xffff;
	_ =	sdelay $0x4  }
0xa4: {  	[tilespmem:v18+s16+$0x0] =	vst.idx.msk $0xffff, v27  }
0xa5: {  	v27 =	vld.idx.msk [tilespmem:v3+s0+$0x0], $0xffff;
	_ =	sdelay $0x4  }
0xa6: {  	[tilespmem:v19+s16+$0x0] =	vst.idx.msk $0xffff, v27  }
0xa7: {  	v27 =	vld.idx.msk [tilespmem:v8+s0+$0x0], $0xffff;
	_ =	sdelay $0x4  }
0xa8: {  	[tilespmem:v20+s16+$0x0] =	vst.idx.msk $0xffff, v27  }
0xa9: {  	v27 =	vld.idx.msk [tilespmem:v4+s0+$0x0], $0xffff;
	_ =	sdelay $0x4  }
0xaa: {  	[tilespmem:v21+s16+$0x0] =	vst.idx.msk $0xffff, v27  }
0xab: {  	v27 =	vld.idx.msk [tilespmem:v9+s0+$0x0], $0xffff;
	_ =	sdelay $0x4  }
0xac: {  	[tilespmem:v22+s16+$0x0] =	vst.idx.msk $0xffff, v27  }
0xad: {  	v27 =	vld.idx.msk [tilespmem:v5+s0+$0x0], $0xffff;
	_ =	sdelay $0x4  }
0xae: {  	[tilespmem:v23+s16+$0x0] =	vst.idx.msk $0xffff, v27  }
0xaf: {  	v27 =	vld.idx.msk [tilespmem:v10+s0+$0x0], $0xffff;
	_ =	sdelay $0x4  }
0xb0: {  	[tilespmem:v24+s16+$0x0] =	vst.idx.msk $0xffff, v27  }
0xb1: {  	v27 =	vld.idx.msk [tilespmem:v6+s0+$0x0], $0xffff;
	_ =	sdelay $0x2  }
0xb2: {  	s19 =	simm.s32 $0x0  }
0xb3: {  	v28 =	vmov s19  }
0xb4: {  	[tilespmem:v25+s16+$0x0] =	vst.idx.msk $0xffff, v27;
	v27 =	vand.u32 $0xFFFFFFFE, v28  }
0xb5: {  	v28 =	vld.idx.msk [tilespmem:v11+s0+$0x0], $0xffff;
	v27 =	vbroadcast v27, $0x0;
	_ =	sdelay $0x4  }
0xb6: {  	[tilespmem:v26+s16+$0x0] =	vst.idx.msk $0xffff, v28  }
0xb7: {  	s19 =	simm.s32 $0x700;
	v27 =	vld.idx.msk [tilespmem:v27+s16+$0x0], $0xffff  }
0xb8: {  	v28 =	vld [tilespmem:s19+$0xFFFFFFE0]  }
0xb9: {  	v29 =	vld [tilespmem:s19+$0xFFFFFFF0];
	_ =	sdelay $0x2  }
0xba: {  	v30 =	vmov s20  }
0xbb: {  	v28 =	vmul.f32 v28, v27  }
0xbc: {  	v27 =	vmul.f32 v29, v27  }
0xbd: {  	v31 =	vld [tilespmem:s19+$0x10];
	[tilespmem:s19+$0xFFFFFFE0] =	vst v28  }
0xbe: {  	[tilespmem:s19+$0xFFFFFFF0] =	vst v27;
	v28 =	vld [tilespmem:s19+$0x0]  }
0xbf: {  	v30 =	vld.idx.msk [tilespmem:v30+s16+$0x0], $0xffff  }
0xc0: {  	s23 =	simm.s32 $0x2  }
0xc1: {  	v27 =	vmov s23  }
0xc2: {  	v27 =	vand.u32 $0xFFFFFFFE, v27  }
0xc3: {  	v27 =	vbroadcast v27, $0x0  }
0xc4: {  	s22 =	simm.s32 $0x5;
	s21 =	simm.s32 $0x700;
	s20 =	simm.s32 $0x3;
	v29 =	vmul.f32 v28, v30;
	v28 =	vmul.f32 v31, v30  }
.LBB2_5:
0xc5: {  	p0 =	sne.s32 s22, $0x9F  }
0xc6: {  	s19 =	sadd.s32 $0x40, s19;
	s23 =	smov.u32 s22;
	s22 =	sadd.s32 $0x2, s22  }
0xc7: {  	[tilespmem:s21+$0x0] =	vst v29  }
0xc8: {  	v29 =	vld [tilespmem:s19+$0xFFFFFFF0];
	[tilespmem:s21+$0x10] =	vst v28;
	s21 =	smov.u32 s19  }
0xc9: {  	v27 =	vld.idx.msk [tilespmem:v27+s16+$0x0], $0xffff  }
0xca: {  	v28 =	vld [tilespmem:s19+$0xFFFFFFE0];
	_ =	sdelay $0x2  }
0xcb: {  	v30 =	vmov s20;
	s20 =	smov.u32 s23;
	_ =	sdelay $0x1  }
0xcc: {  	v28 =	vmul.f32 v28, v27;
	v27 =	vmul.f32 v29, v27;
	_ =	sdelay $0x1  }
0xcd: {  	[tilespmem:s19+$0xFFFFFFE0] =	vst v28  }
0xce: {  	[tilespmem:s19+$0xFFFFFFF0] =	vst v27;
	v28 =	vld [tilespmem:s19+$0x0]  }
0xcf: {  	v30 =	vld.idx.msk [tilespmem:v30+s16+$0x0], $0xffff  }
0xd0: {  	s23 =	sadd.s32 $0xFFFFFFFF, s20;
	v31 =	vld [tilespmem:s19+$0x10]  }
.Ltmp3:
0xd1: {  	v27 =	vmov s23;
	(pc) =	sbr.rel @p0 .LBB2_5-.Ltmp3, $3  }
0xd2: {  	v27 =	vand.u32 $0xFFFFFFFE, v27  }
0xd3: {  	v27 =	vbroadcast v27, $0x0;
	_ =	sdelay $0x1  }
0xd4: {  	v29 =	vmul.f32 v28, v30;
	v28 =	vmul.f32 v31, v30  }
0xd5: {  	_ =	sdelay $0x1  }
0xd6: {  	s19 =	sadd.s32 $0x40, s19;
	[tilespmem:s21+$0x0] =	vst v29  }
0xd7: {  	v29 =	vld [tilespmem:s19+$0xFFFFFFF0];
	[tilespmem:s21+$0x10] =	vst v28  }
0xd8: {  	v27 =	vld.idx.msk [tilespmem:v27+s16+$0x0], $0xffff  }
0xd9: {  	v28 =	vld [tilespmem:s19+$0xFFFFFFE0];
	_ =	sdelay $0x3  }
0xda: {  	v30 =	vmov s20  }
0xdb: {  	v28 =	vmul.f32 v28, v27  }
0xdc: {  	v27 =	vmul.f32 v29, v27  }
0xdd: {  	[tilespmem:s19+$0xFFFFFFE0] =	vst v28  }
0xde: {  	[tilespmem:s19+$0xFFFFFFF0] =	vst v27;
	v27 =	vld [tilespmem:s19+$0x0]  }
0xdf: {  	v28 =	vld.idx.msk [tilespmem:v30+s16+$0x0], $0xffff  }
0xe0: {  	v29 =	vld [tilespmem:s19+$0x10];
	_ =	sdelay $0x3  }
0xe1: {  	v27 =	vmul.f32 v27, v28  }
0xe2: {  	v28 =	vmul.f32 v29, v28  }
0xe3: {  	p0 =	seq.s32 s18, $0x7C;
	[tilespmem:s19+$0x0] =	vst v27  }
0xe4: {  	[tilespmem:s19+$0x10] =	vst v28;
	s19 =	smul.u32 @!p0 $0xA0, s18  }
0xe5: {  	[spmem:s2] =	stream.indirect.scatter.add.f32 [tilespmem:s10], [sflag:$0x3], $0x40, s31, s9, $0xb8;
	[tilespmem:$0xDF80] =	vst v63  }
0xe6: {  	_ =	swait.ge [sflag:s30], $0x1400;
	s19 =	sadd.s32 @!p0 s19, s25  }
0xe7: {  	[sflag:s30] =	ssyncset.done $0x0;
	s20 =	sshrl.u32 @!p0 s19, $0x3  }
0xe8: {  	s22 =	simm.s32 @!p0 $0x0;
	[sflag:s30] =	ssyncadd.s32 $0xFFFFEC00;
	s21 =	sadd.s32 @!p0 s5, s20  }
0xe9: {  	[tilespmem:s22], [sflag:$0x1] =	stream.linear.gather @!p0 [hbm4b:s21+s22], $0x50, $0x38;
	[tilespmem:$0xDF80] =	vst v63  }
0xea: {  	s20 =	sadd.s32 @!p0 s6, s20;
	s21 =	simm.s32 @!p0 $0xA0  }
0xeb: {  	[tilespmem:s21], [sflag:$0x1] =	stream.linear.gather @!p0 [hbm4b:s20+s22], $0x50, $0x38;
	[tilespmem:$0xDF80] =	vst v63  }
0xec: {  	s19 =	sadd.s32 @!p0 s7, s19;
	s20 =	simm.s32 @!p0 $0x1E0  }
0xed: {  	[tilespmem:s20], [sflag:$0x1] =	stream.linear.gather @!p0 [hbm4b:s19+s22], $0x280, $0x38;
	[tilespmem:$0xDF80] =	vst v63  }
0xee: {  	s19 =	simm.s32 @!p0 $0x1  }
0xef: {  	_ =	swait.ge @!p0 [sflag:s19], $0x50  }
0xf0: {  	[sflag:s19] =	ssyncset.done @!p0 $0x0  }
0xf1: {  	[sflag:s19] =	ssyncadd.s32 @!p0 $0xFFFFFFB0  }
0xf2: {  	_ =	swait.ge @!p0 [sflag:s19], $0x50  }
0xf3: {  	[sflag:s19] =	ssyncset.done @!p0 $0x0  }
0xf4: {  	[sflag:s19] =	ssyncadd.s32 @!p0 $0xFFFFFFB0  }
0xf5: {  	_ =	swait.ge @!p0 [sflag:s19], $0x280  }
0xf6: {  	[sflag:s19] =	ssyncset.done @!p0 $0x0  }
0xf7: {  	[sflag:s19] =	ssyncadd.s32 @!p0 $0xFFFFFD80  }
0xf8: {  	v27 =	vld @!p0 [tilespmem:$0x0];
	_ =	sdelay $0x1  }
0xf9: {  	v28 =	vlaneseq.u32 @!p0;
	_ =	sdelay $0x2  }
0xfa: {  	v27 =	vshll.u32 @!p0 v27, $0x1  }
0xfb: {  	s19 =	simm.s32 @!p0 $0x140;
	v27 =	vor.u32 @!p0 v1, v27  }
0xfc: {  	[tilespmem:v28+s19+$0x0] =	vst.idx.msk @!p0 $0xffff, v27  }
0xfd: {  	v27 =	vld @!p0 [tilespmem:$0x10];
	_ =	sdelay $0x1  }
0xfe: {  	v29 =	vor.u32 @!p0 $0x10, v28;
	_ =	sdelay $0x2  }
0xff: {  	v27 =	vshll.u32 @!p0 v27, $0x1  }
0x100: {  	v27 =	vor.u32 @!p0 v1, v27  }
0x101: {  	[tilespmem:v29+s19+$0x0] =	vst.idx.msk @!p0 $0xffff, v27  }
0x102: {  	v27 =	vld @!p0 [tilespmem:$0x20];
	_ =	sdelay $0x1  }
0x103: {  	v29 =	vor.u32 @!p0 $0x20, v28;
	_ =	sdelay $0x2  }
0x104: {  	v27 =	vshll.u32 @!p0 v27, $0x1  }
0x105: {  	v27 =	vor.u32 @!p0 v1, v27  }
0x106: {  	[tilespmem:v29+s19+$0x0] =	vst.idx.msk @!p0 $0xffff, v27  }
0x107: {  	v27 =	vld @!p0 [tilespmem:$0x30];
	_ =	sdelay $0x1  }
0x108: {  	v29 =	vor.u32 @!p0 $0x30, v28;
	_ =	sdelay $0x2  }
0x109: {  	v27 =	vshll.u32 @!p0 v27, $0x1  }
0x10a: {  	v27 =	vor.u32 @!p0 v1, v27  }
0x10b: {  	[tilespmem:v29+s19+$0x0] =	vst.idx.msk @!p0 $0xffff, v27  }
0x10c: {  	v27 =	vld @!p0 [tilespmem:$0x40];
	_ =	sdelay $0x1  }
0x10d: {  	v28 =	vor.u32 @!p0 $0x40, v28;
	_ =	sdelay $0x2  }
0x10e: {  	v27 =	vshll.u32 @!p0 v27, $0x1  }
0x10f: {  	v27 =	vor.u32 @!p0 v1, v27  }
0x110: {  	s21 =	simm.s32 @!p0 $0x6E0;
	s20 =	simm.s32 @!p0 $0x50;
	[tilespmem:v28+s19+$0x0] =	vst.idx.msk @!p0 $0xffff, v27  }
0x111: {  	[tilespmem:s21], [sflag:$0x2] =	stream.indirect.gather @!p0 [hbm4b:s1+s20], $0x40, s19, s20, $0xb8;
	[tilespmem:$0xDF80] =	vst v63  }
0x112: {  	_ =	swait.ge [sflag:s15], $0x1400  }
0x113: {  	[sflag:s15] =	ssyncset.done $0x0  }
0x114: {  	[sflag:s15] =	ssyncadd.s32 $0xFFFFEC00  }
0x115: {  	v27 =	vld.idx.msk [tilespmem:v2+s12+$0x0], $0xffff;
	_ =	sdelay $0x4  }
0x116: {  	[tilespmem:v14+s16+$0x0] =	vst.idx.msk $0xffff, v27  }
0x117: {  	v27 =	vld.idx.msk [tilespmem:v7+s12+$0x0], $0xffff;
	_ =	sdelay $0x4  }
0x118: {  	[tilespmem:v18+s16+$0x0] =	vst.idx.msk $0xffff, v27  }
0x119: {  	v27 =	vld.idx.msk [tilespmem:v3+s12+$0x0], $0xffff;
	_ =	sdelay $0x4  }
0x11a: {  	[tilespmem:v19+s16+$0x0] =	vst.idx.msk $0xffff, v27  }
0x11b: {  	v27 =	vld.idx.msk [tilespmem:v8+s12+$0x0], $0xffff;
	_ =	sdelay $0x4  }
0x11c: {  	[tilespmem:v20+s16+$0x0] =	vst.idx.msk $0xffff, v27  }
0x11d: {  	v27 =	vld.idx.msk [tilespmem:v4+s12+$0x0], $0xffff;
	_ =	sdelay $0x4  }
0x11e: {  	[tilespmem:v21+s16+$0x0] =	vst.idx.msk $0xffff, v27  }
0x11f: {  	v27 =	vld.idx.msk [tilespmem:v9+s12+$0x0], $0xffff;
	_ =	sdelay $0x4  }
0x120: {  	[tilespmem:v22+s16+$0x0] =	vst.idx.msk $0xffff, v27  }
0x121: {  	v27 =	vld.idx.msk [tilespmem:v5+s12+$0x0], $0xffff;
	_ =	sdelay $0x4  }
0x122: {  	[tilespmem:v23+s16+$0x0] =	vst.idx.msk $0xffff, v27  }
0x123: {  	v27 =	vld.idx.msk [tilespmem:v10+s12+$0x0], $0xffff;
	_ =	sdelay $0x4  }
0x124: {  	[tilespmem:v24+s16+$0x0] =	vst.idx.msk $0xffff, v27  }
0x125: {  	v27 =	vld.idx.msk [tilespmem:v6+s12+$0x0], $0xffff;
	_ =	sdelay $0x2  }
0x126: {  	s21 =	simm.s32 $0x0  }
0x127: {  	v28 =	vmov s21  }
0x128: {  	[tilespmem:v25+s16+$0x0] =	vst.idx.msk $0xffff, v27;
	v27 =	vand.u32 $0xFFFFFFFE, v28  }
0x129: {  	v28 =	vld.idx.msk [tilespmem:v11+s12+$0x0], $0xffff;
	v27 =	vbroadcast v27, $0x0;
	_ =	sdelay $0x4  }
0x12a: {  	[tilespmem:v26+s16+$0x0] =	vst.idx.msk $0xffff, v28  }
0x12b: {  	s19 =	simm.s32 $0x1B00;
	v27 =	vld.idx.msk [tilespmem:v27+s16+$0x0], $0xffff  }
0x12c: {  	v28 =	vld [tilespmem:s19+$0xFFFFFFE0]  }
0x12d: {  	v29 =	vld [tilespmem:s19+$0xFFFFFFF0];
	_ =	sdelay $0x1  }
0x12e: {  	s22 =	simm.s32 $0x1  }
0x12f: {  	v30 =	vmov s22  }
0x130: {  	v28 =	vmul.f32 v28, v27  }
0x131: {  	v27 =	vmul.f32 v29, v27  }
0x132: {  	v31 =	vld [tilespmem:s19+$0x10];
	[tilespmem:s19+$0xFFFFFFE0] =	vst v28  }
0x133: {  	[tilespmem:s19+$0xFFFFFFF0] =	vst v27;
	v28 =	vld [tilespmem:s19+$0x0]  }
0x134: {  	v30 =	vld.idx.msk [tilespmem:v30+s16+$0x0], $0xffff  }
0x135: {  	s23 =	simm.s32 $0x2  }
0x136: {  	v27 =	vmov s23  }
0x137: {  	v27 =	vand.u32 $0xFFFFFFFE, v27  }
0x138: {  	v27 =	vbroadcast v27, $0x0  }
0x139: {  	s22 =	simm.s32 $0x5;
	s20 =	simm.s32 $0x3;
	s21 =	simm.s32 $0x1B00;
	v29 =	vmul.f32 v28, v30;
	v28 =	vmul.f32 v31, v30  }
.LBB2_7:
0x13a: {  	p1 =	sne.s32 s22, $0x9F  }
0x13b: {  	s19 =	sadd.s32 $0x40, s19;
	s23 =	smov.u32 s22;
	s22 =	sadd.s32 $0x2, s22  }
0x13c: {  	[tilespmem:s21+$0x0] =	vst v29  }
0x13d: {  	v29 =	vld [tilespmem:s19+$0xFFFFFFF0];
	[tilespmem:s21+$0x10] =	vst v28;
	s21 =	smov.u32 s19  }
0x13e: {  	v27 =	vld.idx.msk [tilespmem:v27+s16+$0x0], $0xffff  }
0x13f: {  	v28 =	vld [tilespmem:s19+$0xFFFFFFE0];
	_ =	sdelay $0x2  }
0x140: {  	v30 =	vmov s20;
	s20 =	smov.u32 s23;
	_ =	sdelay $0x1  }
0x141: {  	v28 =	vmul.f32 v28, v27;
	v27 =	vmul.f32 v29, v27;
	_ =	sdelay $0x1  }
0x142: {  	[tilespmem:s19+$0xFFFFFFE0] =	vst v28  }
0x143: {  	[tilespmem:s19+$0xFFFFFFF0] =	vst v27;
	v28 =	vld [tilespmem:s19+$0x0]  }
0x144: {  	v30 =	vld.idx.msk [tilespmem:v30+s16+$0x0], $0xffff  }
0x145: {  	s23 =	sadd.s32 $0xFFFFFFFF, s20;
	v31 =	vld [tilespmem:s19+$0x10]  }
.Ltmp4:
0x146: {  	v27 =	vmov s23;
	(pc) =	sbr.rel @p1 .LBB2_7-.Ltmp4, $3  }
0x147: {  	v27 =	vand.u32 $0xFFFFFFFE, v27  }
0x148: {  	v27 =	vbroadcast v27, $0x0;
	_ =	sdelay $0x1  }
0x149: {  	v29 =	vmul.f32 v28, v30;
	v28 =	vmul.f32 v31, v30  }
0x14a: {  	_ =	sdelay $0x1  }
0x14b: {  	s19 =	sadd.s32 $0x40, s19;
	[tilespmem:s21+$0x0] =	vst v29  }
0x14c: {  	v29 =	vld [tilespmem:s19+$0xFFFFFFF0];
	[tilespmem:s21+$0x10] =	vst v28  }
0x14d: {  	v27 =	vld.idx.msk [tilespmem:v27+s16+$0x0], $0xffff  }
0x14e: {  	v28 =	vld [tilespmem:s19+$0xFFFFFFE0];
	_ =	sdelay $0x3  }
0x14f: {  	v30 =	vmov s20  }
0x150: {  	v28 =	vmul.f32 v28, v27  }
0x151: {  	v27 =	vmul.f32 v29, v27  }
0x152: {  	[tilespmem:s19+$0xFFFFFFE0] =	vst v28  }
0x153: {  	[tilespmem:s19+$0xFFFFFFF0] =	vst v27;
	v27 =	vld [tilespmem:s19+$0x0]  }
0x154: {  	v28 =	vld.idx.msk [tilespmem:v30+s16+$0x0], $0xffff  }
0x155: {  	v63 =	vld [tilespmem:s19+$0x10];
	_ =	sdelay $0x3  }
0x156: {  	v27 =	vmul.f32 v27, v28  }
0x157: {  	v28 =	vmul.f32 v63, v28  }
0x158: {  	[tilespmem:s19+$0x0] =	vst v27  }
.Ltmp5:
0x159: {  	[tilespmem:s19+$0x10] =	vst v28;
	(pc) =	sbr.rel @p0 .LBB2_10-.Ltmp5, $4  }
0x15a: {  	[spmem:s2] =	stream.indirect.scatter.add.f32 [tilespmem:s14], [sflag:$0x3], $0x40, s11, s9, $0xb8;
	[tilespmem:$0xDF80] =	vst v63  }
0x15b: {  	_ =	swait.ge [sflag:s30], $0x1400  }
0x15c: {  	[sflag:s30] =	ssyncset.done $0x0  }
0x15d: {  	[sflag:s30] =	ssyncadd.s32 $0xFFFFEC00  }
0x15e: {  	s19 =	smul.u32 $0xA0, s18;
	_ =	sdelay $0x1  }
0x15f: {  	s19 =	sadd.s32 s19, s26  }
0x160: {  	s20 =	sshrl.u32 s19, $0x3  }
0x161: {  	s21 =	sadd.s32 s5, s20  }
0x162: {  	[tilespmem:s9], [sflag:$0x1] =	stream.linear.gather [hbm4b:s21+s4], $0x50, $0x38;
	[tilespmem:$0xDF80] =	vst v63  }
.Ltmp6:
0x163: {  	_ = 	snop;
	(pc) =	sbr.rel .LBB2_4-.Ltmp6, $4  }
0x164: {  	s20 =	sadd.s32 s6, s20  }
0x165: {  	[tilespmem:s11], [sflag:$0x1] =	stream.linear.gather [hbm4b:s20+s4], $0x50, $0x38;
	[tilespmem:$0xDF80] =	vst v63  }
0x166: {  	s18 =	sadd.s32 $0x1, s18;
	s19 =	sadd.s32 s7, s19  }
0x167: {  	[tilespmem:s12], [sflag:$0x1] =	stream.linear.gather [hbm4b:s19+s4], $0x280, $0x38;
	[tilespmem:$0xDF80] =	vst v63  }
.LBB2_11:
0x168: {  	_ =	sfence.sel $0x180000  }
0x169: {  	[bflag:$0x0] =	sbarrier.arrive $0xFFFF  }
0x16a: {  	_ =	strace $0x9000004A  }
0x16b: {  	s0 =	stileid.u32;
	[bflag:$0x2] =	sbarrier.arrive $0xFFFF  }
0x16c: {  	p0 =	sne.s32 s0, $0x0;
	s0 =	rddreg [dreg:$0x3]  }
0x16d: {  	s0 =	sadd.s32 @!p0 $0x100000, s0  }
0x16e: {  	[sflag:s0] =	ssyncadd.tile.s32 @!p0 $0x1;
	_ =	shalt  }
.Lfunc_end2:
_tile_overlayer_lowered:
.L_overlay_start_2:
0x16f: {  	(tag) =	ssettag $0x2  }
0x170: {  	s0 =	rddreg [dreg:$0x0];
	s2 =	stileid.u32  }
0x171: {  	s1 =	rddreg [dreg:$0x1];
	p0 =	sne.s32 s2, $0x0  }
0x172: {  	s3 =	rddreg [dreg:$0x2];
	[bflag:$0x3] =	sbarrier.arrive $0xFFFF;
	s2 =	simm.s32 @!p0 $0x1C03  }
0x173: {  	[timem:s3], [sflag:s2] =	dma.local @!p0 [hbm:s0], s1  }
0x174: {  	s0 =	simm.s32 @!p0 $0x3  }
0x175: {  	_ =	swait.ge @!p0 [sflag:s0], s1  }
0x176: {  	s1 =	ssub.s32 @!p0 $0x0, s1;
	[sflag:s0] =	ssyncset.done @!p0 $0x0  }
0x177: {  	[sflag:s0] =	ssyncadd.s32 @!p0 s1  }
0x178: {  	[bflag:$0x3] =	sbarrier.arrive $0xFFFF  }
0x179: {  	_ =	shalt  }

</sc_bundles>
